<compile_context>
chip_gen: v7x
topology: tpu7x:2x2x1
jax: 0.10.2.dev20260603
libtpu: 0.0.44.dev20260713+nightly
codegen_flags: <defaults>
</compile_context>

<pallas_src>
import jax
import jax.numpy as jnp
from jax import lax
from jax.experimental import pallas as pl
from jax.experimental.pallas import tpu as pltpu
from jax.experimental.pallas import tpu_sc as plsc

N = 10000
E = 320000
D = 128
H = 256

GROUP = 128
NUM_GROUPS = E // GROUP
NC = 2
NS = 16
NW = NC * NS
GROUPS_PER_W = -(-NUM_GROUPS // NW)
STRIPE = 632
STRIDE = 624


def _stripe_start(sub):
    return pl.multiple_of(jnp.where(sub == NS - 1, N - STRIPE, sub * STRIDE), 8)


NBUF = 3


def _sc_scatter_kernel(edge_hbm, col_hbm, zeros_hbm, out_hbm, *scratch):
    idx_bufs = scratch[0:NBUF]
    rows_bufs = scratch[NBUF:2 * NBUF]
    acc_shared = scratch[2 * NBUF]
    lsems = scratch[2 * NBUF + 1:3 * NBUF + 1]
    ssems = scratch[3 * NBUF + 1:4 * NBUF + 1]

    core = lax.axis_index("core")
    sub = lax.axis_index("subcore")
    wid = sub * NC + core
    ni = jnp.where(wid < NUM_GROUPS % NW, GROUPS_PER_W, GROUPS_PER_W - 1)

    def group_off(i):
        return pl.multiple_of((i * NW + wid) * GROUP, GROUP)

    def start_loads(i, k):
        off = group_off(i)
        pltpu.async_copy(col_hbm.at[pl.ds(0, 2), pl.ds(off, GROUP)],
                         idx_bufs[k], lsems[k])
        pltpu.async_copy(edge_hbm.at[pl.ds(off, GROUP)], rows_bufs[k],
                         lsems[k])

    def wait_loads(i, k):
        off = group_off(i)
        pltpu.make_async_copy(col_hbm.at[pl.ds(0, 2), pl.ds(off, GROUP)],
                              idx_bufs[k], lsems[k]).wait()
        pltpu.make_async_copy(edge_hbm.at[pl.ds(off, GROUP)],
                              rows_bufs[k], lsems[k]).wait()

    def start_scatter(k):
        pltpu.async_copy(rows_bufs[k], acc_shared.at[idx_bufs[k].at[1]],
                         ssems[k], add=True)

    def wait_scatter(k):
        pltpu.make_async_copy(rows_bufs[k], acc_shared.at[idx_bufs[k].at[1]],
                              ssems[k]).wait()

    for k in range(NBUF):
        start_loads(k, k)

    r0 = _stripe_start(sub)
    pltpu.sync_copy(zeros_hbm.at[pl.ds(r0, STRIPE)],
                    acc_shared.at[pl.ds(r0, STRIPE)])
    plsc.subcore_barrier()

    @pl.loop(0, -(-GROUPS_PER_W // NBUF))
    def _(t):
        i0 = NBUF * t
        for k in range(NBUF):
            i = i0 + k

            @pl.when(i < ni)
            def _(i=i, k=k):
                wait_loads(i, k)
                start_scatter(k)

        for k in range(NBUF):
            i = i0 + k

            @pl.when(i + NBUF < ni)
            def _(i=i, k=k):
                wait_scatter(k)
                start_loads(i + NBUF, k)

    for k in range(NBUF):
        wait_scatter(k)

    plsc.subcore_barrier()
    pltpu.sync_copy(acc_shared.at[pl.ds(r0, STRIPE)],
                    out_hbm.at[core, pl.ds(r0, STRIPE), :])


def _sc_scatter(edge_attr, col2, zeros_nd):
    mesh = plsc.VectorSubcoreMesh(core_axis_name="core",
                                  subcore_axis_name="subcore")
    return pl.kernel(
        _sc_scatter_kernel,
        out_type=jax.ShapeDtypeStruct((NC, N, D), jnp.float32),
        mesh=mesh,
        scratch_types=(
            [pltpu.VMEM((2, GROUP), jnp.int32)] * NBUF
            + [pltpu.VMEM((GROUP, D), jnp.float32)] * NBUF
            + [pltpu.VMEM_SHARED((N, D), jnp.float32)]
            + [pltpu.SemaphoreType.DMA] * (2 * NBUF)
        ),
    )(edge_attr, col2, zeros_nd)


def _mlp_kernel(x_ref, p_ref, w1x_ref, w1a_ref, b1_ref, w2_ref, b2_ref, o_ref):
    agg = p_ref[0] + p_ref[1]
    h = jnp.dot(x_ref[...], w1x_ref[...], preferred_element_type=jnp.float32)
    h += jnp.dot(agg, w1a_ref[...], preferred_element_type=jnp.float32)
    h = jnp.maximum(h + b1_ref[...], 0.0)
    o_ref[...] = (jnp.dot(h, w2_ref[...], preferred_element_type=jnp.float32)
                  + b2_ref[...])


def _mlp(x, partials, W1, b1, W2, b2):
    R = 2000
    return pl.pallas_call(
        _mlp_kernel,
        grid=(N // R,),
        in_specs=[
            pl.BlockSpec((R, D), lambda i: (i, 0)),
            pl.BlockSpec((NC, R, D), lambda i: (0, i, 0)),
            pl.BlockSpec((D, H), lambda i: (0, 0)),
            pl.BlockSpec((D, H), lambda i: (0, 0)),
            pl.BlockSpec((1, H), lambda i: (0, 0)),
            pl.BlockSpec((H, D), lambda i: (0, 0)),
            pl.BlockSpec((1, D), lambda i: (0, 0)),
        ],
        out_specs=pl.BlockSpec((R, D), lambda i: (i, 0)),
        out_shape=jax.ShapeDtypeStruct((N, D), jnp.float32),
    )(x, partials, W1[:D], W1[D:], b1.reshape(1, H), W2, b2.reshape(1, D))


def kernel(x, edge_index, edge_attr, u, batch, W1, b1, W2, b2):
    zeros_nd = jnp.zeros((N, D), jnp.float32)
    partials = _sc_scatter(edge_attr, edge_index, zeros_nd)
    return _mlp(x, partials, W1, b1, W2, b2)

# --- scband reference (transcript-rebuilt; emitter-appended) ---
"""Pipeline reference for scband-node-model-28346784153766 (READ-ONLY COPY).

The authoritative reference and input builder live on the scoring server;
editing this copy changes nothing except your own understanding.
"""

import jax, jax.numpy as jnp
import numpy as np


def setup_inputs(seed: int = 0) -> dict:
    key = jax.random.key(seed)
    ks = jax.random.split(key, 8)
    N, E, D, H = 10000, 320000, 128, 256
    x = jax.random.normal(ks[0], (N, D), dtype=jnp.float32)
    edge_index = jax.random.randint(ks[1], (2, E), 0, N, dtype=jnp.int32)
    edge_attr = jax.random.normal(ks[2], (E, D), dtype=jnp.float32)
    u = jax.random.normal(ks[3], (1, D), dtype=jnp.float32)
    batch = jnp.zeros((N,), dtype=jnp.int32)
    W1 = jax.random.normal(ks[4], (2 * D, H), dtype=jnp.float32) * 0.02
    b1 = jnp.zeros((H,), dtype=jnp.float32)
    W2 = jax.random.normal(ks[5], (H, D), dtype=jnp.float32) * 0.02
    b2 = jnp.zeros((D,), dtype=jnp.float32)
    return {"x": x, "edge_index": edge_index, "edge_attr": edge_attr, "u": u,
            "batch": batch, "W1": W1, "b1": b1, "W2": W2, "b2": b2}


def reference(x, edge_index, edge_attr, u, batch, W1, b1, W2, b2):
    # row, col = edge_index; scatter_add edge_attr into destination nodes (col)
    col = edge_index[1]
    agg = jnp.zeros_like(x).at[col].add(edge_attr)
    out = jnp.concatenate([x, agg], axis=1)
    h = jax.nn.relu(out @ W1 + b1)
    return h @ W2 + b2

if __name__ == "__main__":
    import jax
    _d = setup_inputs()
    print(jax.jit(kernel)(*tuple(_d.values())))

</pallas_src>

<mosaic_0001>
#map = affine_map<(d0, d1) -> (0, 0)>
#map1 = affine_map<(d0, d1) -> (0, 0, 0)>
module attributes {stable_mosaic.version = 14 : i64} {
  func.func @_sc_scatter_kernel(%arg0: i32, %arg1: i32, %arg2: memref<320000x128xf32, #tpu.memory_space<hbm>>, %arg3: memref<2x320000xi32, #tpu.memory_space<hbm>>, %arg4: memref<10000x128xf32, #tpu.memory_space<hbm>>, %arg5: memref<2x10000x128xf32, #tpu.memory_space<hbm>>, %arg6: memref<2x128xi32, #tpu.memory_space<vmem>>, %arg7: memref<2x128xi32, #tpu.memory_space<vmem>>, %arg8: memref<2x128xi32, #tpu.memory_space<vmem>>, %arg9: memref<128x128xf32, #tpu.memory_space<vmem>>, %arg10: memref<128x128xf32, #tpu.memory_space<vmem>>, %arg11: memref<128x128xf32, #tpu.memory_space<vmem>>, %arg12: memref<10000x128xf32, #tpu.memory_space<vmem_shared>>, %arg13: memref<!tpu.dma_semaphore, #tpu.memory_space<semaphore_mem>>, %arg14: memref<!tpu.dma_semaphore, #tpu.memory_space<semaphore_mem>>, %arg15: memref<!tpu.dma_semaphore, #tpu.memory_space<semaphore_mem>>, %arg16: memref<!tpu.dma_semaphore, #tpu.memory_space<semaphore_mem>>, %arg17: memref<!tpu.dma_semaphore, #tpu.memory_space<semaphore_mem>>, %arg18: memref<!tpu.dma_semaphore, #tpu.memory_space<semaphore_mem>>) attributes {dimension_semantics = [#tpu.dimension_semantics<core_parallel>, #tpu.dimension_semantics<subcore_parallel>], iteration_bounds = array<i64: 2, 16>, scalar_prefetch = 0 : i64, scratch_operands = 13 : i64, tpu.core_type = #tpu.core_type<sc_vector_subcore>, window_params = [{transform_indices = #map}, {transform_indices = #map}, {transform_indices = #map}, {transform_indices = #map1}]} {
    %mul3A = arith.constant 2 : i32
    %mul3A_0 = arith.muli %arg1, %mul3A : i32
    %add3A = arith.addi %mul3A_0, %arg0 : i32
    %lt3A = arith.constant 4 : i32
    %lt3A_1 = arith.cmpi slt, %add3A, %lt3A : i32
    %jit3A = arith.constant 79 : i32
    %jit3A_2 = arith.constant 78 : i32
    %select_n3A = arith.select %lt3A_1, %jit3A, %jit3A_2 : i32
    %add3A_3 = arith.constant 0 : i32
    %add3A_4 = arith.addi %add3A_3, %add3A : i32
    %mul3A_5 = arith.constant 128 : i32
    %mul3A_6 = arith.muli %add3A_4, %mul3A_5 : i32
    %multiple_of3A = tpu.assume_multiple %mul3A_6, 128 : i32
    %dma_start3A = arith.constant 0 : i32
    %dma_start3A_7 = tpu.memref_slice %arg3[%dma_start3A, %multiple_of3A] : memref<2x320000xi32, #tpu.memory_space<hbm>> -> memref<2x128xi32, #tpu.memory_space<hbm>>
    %dma_start3A_8 = arith.constant 0 : i32
    %dma_start3A_9 = tpu.memref_slice %arg3[%dma_start3A_8, %multiple_of3A] : memref<2x320000xi32, #tpu.memory_space<hbm>> -> memref<2x128xi32, #tpu.memory_space<hbm>>
    tpu.enqueue_dma source(%dma_start3A_9 : memref<2x128xi32, #tpu.memory_space<hbm>>) target(%arg6 : memref<2x128xi32, #tpu.memory_space<vmem>>) target_semaphore(%arg13 : memref<!tpu.dma_semaphore, #tpu.memory_space<semaphore_mem>>)
    %dma_start3A_10 = arith.constant 0 : i32
    %dma_start3A_11 = tpu.memref_slice %arg2[%multiple_of3A, %dma_start3A_10] : memref<320000x128xf32, #tpu.memory_space<hbm>> -> memref<128x128xf32, #tpu.memory_space<hbm>>
    %dma_start3A_12 = arith.constant 0 : i32
    %dma_start3A_13 = tpu.memref_slice %arg2[%multiple_of3A, %dma_start3A_12] : memref<320000x128xf32, #tpu.memory_space<hbm>> -> memref<128x128xf32, #tpu.memory_space<hbm>>
    tpu.enqueue_dma source(%dma_start3A_13 : memref<128x128xf32, #tpu.memory_space<hbm>>) target(%arg9 : memref<128x128xf32, #tpu.memory_space<vmem>>) target_semaphore(%arg13 : memref<!tpu.dma_semaphore, #tpu.memory_space<semaphore_mem>>)
    %add3A_14 = arith.constant 32 : i32
    %add3A_15 = arith.addi %add3A_14, %add3A : i32
    %mul3A_16 = arith.constant 128 : i32
    %mul3A_17 = arith.muli %add3A_15, %mul3A_16 : i32
    %multiple_of3A_18 = tpu.assume_multiple %mul3A_17, 128 : i32
    %dma_start3A_19 = arith.constant 0 : i32
    %dma_start3A_20 = tpu.memref_slice %arg3[%dma_start3A_19, %multiple_of3A_18] : memref<2x320000xi32, #tpu.memory_space<hbm>> -> memref<2x128xi32, #tpu.memory_space<hbm>>
    %dma_start3A_21 = arith.constant 0 : i32
    %dma_start3A_22 = tpu.memref_slice %arg3[%dma_start3A_21, %multiple_of3A_18] : memref<2x320000xi32, #tpu.memory_space<hbm>> -> memref<2x128xi32, #tpu.memory_space<hbm>>
    tpu.enqueue_dma source(%dma_start3A_22 : memref<2x128xi32, #tpu.memory_space<hbm>>) target(%arg7 : memref<2x128xi32, #tpu.memory_space<vmem>>) target_semaphore(%arg14 : memref<!tpu.dma_semaphore, #tpu.memory_space<semaphore_mem>>)
    %dma_start3A_23 = arith.constant 0 : i32
    %dma_start3A_24 = tpu.memref_slice %arg2[%multiple_of3A_18, %dma_start3A_23] : memref<320000x128xf32, #tpu.memory_space<hbm>> -> memref<128x128xf32, #tpu.memory_space<hbm>>
    %dma_start3A_25 = arith.constant 0 : i32
    %dma_start3A_26 = tpu.memref_slice %arg2[%multiple_of3A_18, %dma_start3A_25] : memref<320000x128xf32, #tpu.memory_space<hbm>> -> memref<128x128xf32, #tpu.memory_space<hbm>>
    tpu.enqueue_dma source(%dma_start3A_26 : memref<128x128xf32, #tpu.memory_space<hbm>>) target(%arg10 : memref<128x128xf32, #tpu.memory_space<vmem>>) target_semaphore(%arg14 : memref<!tpu.dma_semaphore, #tpu.memory_space<semaphore_mem>>)
    %add3A_27 = arith.constant 64 : i32
    %add3A_28 = arith.addi %add3A_27, %add3A : i32
    %mul3A_29 = arith.constant 128 : i32
    %mul3A_30 = arith.muli %add3A_28, %mul3A_29 : i32
    %multiple_of3A_31 = tpu.assume_multiple %mul3A_30, 128 : i32
    %dma_start3A_32 = arith.constant 0 : i32
    %dma_start3A_33 = tpu.memref_slice %arg3[%dma_start3A_32, %multiple_of3A_31] : memref<2x320000xi32, #tpu.memory_space<hbm>> -> memref<2x128xi32, #tpu.memory_space<hbm>>
    %dma_start3A_34 = arith.constant 0 : i32
    %dma_start3A_35 = tpu.memref_slice %arg3[%dma_start3A_34, %multiple_of3A_31] : memref<2x320000xi32, #tpu.memory_space<hbm>> -> memref<2x128xi32, #tpu.memory_space<hbm>>
    tpu.enqueue_dma source(%dma_start3A_35 : memref<2x128xi32, #tpu.memory_space<hbm>>) target(%arg8 : memref<2x128xi32, #tpu.memory_space<vmem>>) target_semaphore(%arg15 : memref<!tpu.dma_semaphore, #tpu.memory_space<semaphore_mem>>)
    %dma_start3A_36 = arith.constant 0 : i32
    %dma_start3A_37 = tpu.memref_slice %arg2[%multiple_of3A_31, %dma_start3A_36] : memref<320000x128xf32, #tpu.memory_space<hbm>> -> memref<128x128xf32, #tpu.memory_space<hbm>>
    %dma_start3A_38 = arith.constant 0 : i32
    %dma_start3A_39 = tpu.memref_slice %arg2[%multiple_of3A_31, %dma_start3A_38] : memref<320000x128xf32, #tpu.memory_space<hbm>> -> memref<128x128xf32, #tpu.memory_space<hbm>>
    tpu.enqueue_dma source(%dma_start3A_39 : memref<128x128xf32, #tpu.memory_space<hbm>>) target(%arg11 : memref<128x128xf32, #tpu.memory_space<vmem>>) target_semaphore(%arg15 : memref<!tpu.dma_semaphore, #tpu.memory_space<semaphore_mem>>)
    %eq3A = arith.constant 15 : i32
    %eq3A_40 = arith.cmpi eq, %arg1, %eq3A : i32
    %mul3A_41 = arith.constant 624 : i32
    %mul3A_42 = arith.muli %arg1, %mul3A_41 : i32
    %jit3A_43 = arith.constant 9368 : i32
    %select_n3A_44 = arith.select %eq3A_40, %jit3A_43, %mul3A_42 : i32
    %multiple_of3A_45 = tpu.assume_multiple %select_n3A_44, 8 : i32
    "tpu.region"() ({
      %run_scoped3A = tpu.sem_alloc : memref<!tpu.dma_semaphore, #tpu.memory_space<semaphore_mem>>
      %dma_start3A_71 = arith.constant 0 : i32
      %dma_start3A_72 = tpu.memref_slice %arg12[%multiple_of3A_45, %dma_start3A_71] : memref<10000x128xf32, #tpu.memory_space<vmem_shared>> -> memref<632x128xf32, #tpu.memory_space<vmem_shared>>
      %dma_start3A_73 = arith.constant 0 : i32
      %dma_start3A_74 = tpu.memref_slice %arg4[%multiple_of3A_45, %dma_start3A_73] : memref<10000x128xf32, #tpu.memory_space<hbm>> -> memref<632x128xf32, #tpu.memory_space<hbm>>
      tpu.enqueue_dma source(%dma_start3A_74 : memref<632x128xf32, #tpu.memory_space<hbm>>) target(%dma_start3A_72 : memref<632x128xf32, #tpu.memory_space<vmem_shared>>) target_semaphore(%run_scoped3A : memref<!tpu.dma_semaphore, #tpu.memory_space<semaphore_mem>>)
      %dma_wait3A_75 = arith.constant 0 : i32
      %dma_wait3A_76 = tpu.memref_slice %arg12[%multiple_of3A_45, %dma_wait3A_75] : memref<10000x128xf32, #tpu.memory_space<vmem_shared>> -> memref<632x128xf32, #tpu.memory_space<vmem_shared>>
      %dma_wait3A_77 = arith.constant 0 : i32
      %dma_wait3A_78 = tpu.memref_slice %arg4[%multiple_of3A_45, %dma_wait3A_77] : memref<10000x128xf32, #tpu.memory_space<hbm>> -> memref<632x128xf32, #tpu.memory_space<hbm>>
      tpu.wait_dma2 semaphore(%run_scoped3A : memref<!tpu.dma_semaphore, #tpu.memory_space<semaphore_mem>>) src(%dma_wait3A_78 : memref<632x128xf32, #tpu.memory_space<hbm>>) dst(%dma_wait3A_76 : memref<632x128xf32, #tpu.memory_space<vmem_shared>>)
      tpu.yield
    }) : () -> ()
    %barrier3A = arith.constant 0 : index
    tpu.barrier barrier_id(%barrier3A)
    %scan3A = arith.constant 0 : i32
    %scan3A_46 = arith.constant 27 : i32
    %scan3A_47 = arith.addi %scan3A, %scan3A_46 : i32
    %scan3A_48 = arith.constant 1 : i32
    scf.for %scan3A_71 = %scan3A to %scan3A_47 step %scan3A_48  : i32 {
      %mul3A_72 = arith.constant 1 : i32
      %mul3A_73 = arith.muli %scan3A_71, %mul3A_72 : i32
      %add3A_74 = arith.constant 0 : i32
      %add3A_75 = arith.addi %add3A_74, %mul3A_73 : i32
      %mul3A_76 = arith.constant 3 : i32
      %mul3A_77 = arith.muli %mul3A_76, %add3A_75 : i32
      %add3A_78 = arith.constant 0 : i32
      %add3A_79 = arith.addi %mul3A_77, %add3A_78 : i32
      %lt3A_80 = arith.cmpi slt, %add3A_79, %select_n3A : i32
      %convert_element_type3A = arith.extui %lt3A_80 : i1 to i32
      %cond3A = arith.constant 0 : i32
      %cond3A_81 = arith.cmpi ne, %convert_element_type3A, %cond3A : i32
      scf.if %cond3A_81 {
        %mul3A_118 = arith.constant 32 : i32
        %mul3A_119 = arith.muli %add3A_79, %mul3A_118 : i32
        %add3A_120 = arith.addi %mul3A_119, %add3A : i32
        %mul3A_121 = arith.constant 128 : i32
        %mul3A_122 = arith.muli %add3A_120, %mul3A_121 : i32
        %multiple_of3A_123 = tpu.assume_multiple %mul3A_122, 128 : i32
        %dma_wait3A_124 = arith.constant 0 : i32
        %dma_wait3A_125 = tpu.memref_slice %arg3[%dma_wait3A_124, %multiple_of3A_123] : memref<2x320000xi32, #tpu.memory_space<hbm>> -> memref<2x128xi32, #tpu.memory_space<hbm>>
        %dma_wait3A_126 = arith.constant 0 : i32
        %dma_wait3A_127 = tpu.memref_slice %arg3[%dma_wait3A_126, %multiple_of3A_123] : memref<2x320000xi32, #tpu.memory_space<hbm>> -> memref<2x128xi32, #tpu.memory_space<hbm>>
        tpu.wait_dma2 semaphore(%arg13 : memref<!tpu.dma_semaphore, #tpu.memory_space<semaphore_mem>>) src(%dma_wait3A_127 : memref<2x128xi32, #tpu.memory_space<hbm>>) dst(%arg6 : memref<2x128xi32, #tpu.memory_space<vmem>>)
        %dma_wait3A_128 = arith.constant 0 : i32
        %dma_wait3A_129 = tpu.memref_slice %arg2[%multiple_of3A_123, %dma_wait3A_128] : memref<320000x128xf32, #tpu.memory_space<hbm>> -> memref<128x128xf32, #tpu.memory_space<hbm>>
        %dma_wait3A_130 = arith.constant 0 : i32
        %dma_wait3A_131 = tpu.memref_slice %arg2[%multiple_of3A_123, %dma_wait3A_130] : memref<320000x128xf32, #tpu.memory_space<hbm>> -> memref<128x128xf32, #tpu.memory_space<hbm>>
        tpu.wait_dma2 semaphore(%arg13 : memref<!tpu.dma_semaphore, #tpu.memory_space<semaphore_mem>>) src(%dma_wait3A_131 : memref<128x128xf32, #tpu.memory_space<hbm>>) dst(%arg9 : memref<128x128xf32, #tpu.memory_space<vmem>>)
        %dma_start3A_132 = arith.constant 1 : i32
        %dma_start3A_133 = arith.constant 0 : i32
        %dma_start3A_134 = tpu.memref_slice %arg6[%dma_start3A_132, %dma_start3A_133] : memref<2x128xi32, #tpu.memory_space<vmem>> -> memref<1x128xi32, #tpu.memory_space<vmem>>
        %dma_start3A_135 = tpu.memref_squeeze %dma_start3A_134 : memref<1x128xi32, #tpu.memory_space<vmem>> -> memref<128xi32, #tpu.memory_space<vmem>>
        %dma_start3A_136 = arith.constant 0 : i32
        %dma_start3A_137 = arith.constant 0 : i32
        %dma_start3A_138 = tpu.memref_slice %arg12[%dma_start3A_136, %dma_start3A_137] : memref<10000x128xf32, #tpu.memory_space<vmem_shared>> -> memref<10000x128xf32, #tpu.memory_space<vmem_shared>>
        tpu.enqueue_indirect_dma source(%arg9 : memref<128x128xf32, #tpu.memory_space<vmem>>) target(%dma_start3A_138 : memref<10000x128xf32, #tpu.memory_space<vmem_shared>>) offsets(%dma_start3A_135 : memref<128xi32, #tpu.memory_space<vmem>>) semaphore(%arg16 : memref<!tpu.dma_semaphore, #tpu.memory_space<semaphore_mem>>) {add = true}
      } else {
      }
      %add3A_82 = arith.constant 1 : i32
      %add3A_83 = arith.addi %mul3A_77, %add3A_82 : i32
      %lt3A_84 = arith.cmpi slt, %add3A_83, %select_n3A : i32
      %convert_element_type3A_85 = arith.extui %lt3A_84 : i1 to i32
      %cond3A_86 = arith.constant 0 : i32
      %cond3A_87 = arith.cmpi ne, %convert_element_type3A_85, %cond3A_86 : i32
      scf.if %cond3A_87 {
        %mul3A_118 = arith.constant 32 : i32
        %mul3A_119 = arith.muli %add3A_83, %mul3A_118 : i32
        %add3A_120 = arith.addi %mul3A_119, %add3A : i32
        %mul3A_121 = arith.constant 128 : i32
        %mul3A_122 = arith.muli %add3A_120, %mul3A_121 : i32
        %multiple_of3A_123 = tpu.assume_multiple %mul3A_122, 128 : i32
        %dma_wait3A_124 = arith.constant 0 : i32
        %dma_wait3A_125 = tpu.memref_slice %arg3[%dma_wait3A_124, %multiple_of3A_123] : memref<2x320000xi32, #tpu.memory_space<hbm>> -> memref<2x128xi32, #tpu.memory_space<hbm>>
        %dma_wait3A_126 = arith.constant 0 : i32
        %dma_wait3A_127 = tpu.memref_slice %arg3[%dma_wait3A_126, %multiple_of3A_123] : memref<2x320000xi32, #tpu.memory_space<hbm>> -> memref<2x128xi32, #tpu.memory_space<hbm>>
        tpu.wait_dma2 semaphore(%arg14 : memref<!tpu.dma_semaphore, #tpu.memory_space<semaphore_mem>>) src(%dma_wait3A_127 : memref<2x128xi32, #tpu.memory_space<hbm>>) dst(%arg7 : memref<2x128xi32, #tpu.memory_space<vmem>>)
        %dma_wait3A_128 = arith.constant 0 : i32
        %dma_wait3A_129 = tpu.memref_slice %arg2[%multiple_of3A_123, %dma_wait3A_128] : memref<320000x128xf32, #tpu.memory_space<hbm>> -> memref<128x128xf32, #tpu.memory_space<hbm>>
        %dma_wait3A_130 = arith.constant 0 : i32
        %dma_wait3A_131 = tpu.memref_slice %arg2[%multiple_of3A_123, %dma_wait3A_130] : memref<320000x128xf32, #tpu.memory_space<hbm>> -> memref<128x128xf32, #tpu.memory_space<hbm>>
        tpu.wait_dma2 semaphore(%arg14 : memref<!tpu.dma_semaphore, #tpu.memory_space<semaphore_mem>>) src(%dma_wait3A_131 : memref<128x128xf32, #tpu.memory_space<hbm>>) dst(%arg10 : memref<128x128xf32, #tpu.memory_space<vmem>>)
        %dma_start3A_132 = arith.constant 1 : i32
        %dma_start3A_133 = arith.constant 0 : i32
        %dma_start3A_134 = tpu.memref_slice %arg7[%dma_start3A_132, %dma_start3A_133] : memref<2x128xi32, #tpu.memory_space<vmem>> -> memref<1x128xi32, #tpu.memory_space<vmem>>
        %dma_start3A_135 = tpu.memref_squeeze %dma_start3A_134 : memref<1x128xi32, #tpu.memory_space<vmem>> -> memref<128xi32, #tpu.memory_space<vmem>>
        %dma_start3A_136 = arith.constant 0 : i32
        %dma_start3A_137 = arith.constant 0 : i32
        %dma_start3A_138 = tpu.memref_slice %arg12[%dma_start3A_136, %dma_start3A_137] : memref<10000x128xf32, #tpu.memory_space<vmem_shared>> -> memref<10000x128xf32, #tpu.memory_space<vmem_shared>>
        tpu.enqueue_indirect_dma source(%arg10 : memref<128x128xf32, #tpu.memory_space<vmem>>) target(%dma_start3A_138 : memref<10000x128xf32, #tpu.memory_space<vmem_shared>>) offsets(%dma_start3A_135 : memref<128xi32, #tpu.memory_space<vmem>>) semaphore(%arg17 : memref<!tpu.dma_semaphore, #tpu.memory_space<semaphore_mem>>) {add = true}
      } else {
      }
      %add3A_88 = arith.constant 2 : i32
      %add3A_89 = arith.addi %mul3A_77, %add3A_88 : i32
      %lt3A_90 = arith.cmpi slt, %add3A_89, %select_n3A : i32
      %convert_element_type3A_91 = arith.extui %lt3A_90 : i1 to i32
      %cond3A_92 = arith.constant 0 : i32
      %cond3A_93 = arith.cmpi ne, %convert_element_type3A_91, %cond3A_92 : i32
      scf.if %cond3A_93 {
        %mul3A_118 = arith.constant 32 : i32
        %mul3A_119 = arith.muli %add3A_89, %mul3A_118 : i32
        %add3A_120 = arith.addi %mul3A_119, %add3A : i32
        %mul3A_121 = arith.constant 128 : i32
        %mul3A_122 = arith.muli %add3A_120, %mul3A_121 : i32
        %multiple_of3A_123 = tpu.assume_multiple %mul3A_122, 128 : i32
        %dma_wait3A_124 = arith.constant 0 : i32
        %dma_wait3A_125 = tpu.memref_slice %arg3[%dma_wait3A_124, %multiple_of3A_123] : memref<2x320000xi32, #tpu.memory_space<hbm>> -> memref<2x128xi32, #tpu.memory_space<hbm>>
        %dma_wait3A_126 = arith.constant 0 : i32
        %dma_wait3A_127 = tpu.memref_slice %arg3[%dma_wait3A_126, %multiple_of3A_123] : memref<2x320000xi32, #tpu.memory_space<hbm>> -> memref<2x128xi32, #tpu.memory_space<hbm>>
        tpu.wait_dma2 semaphore(%arg15 : memref<!tpu.dma_semaphore, #tpu.memory_space<semaphore_mem>>) src(%dma_wait3A_127 : memref<2x128xi32, #tpu.memory_space<hbm>>) dst(%arg8 : memref<2x128xi32, #tpu.memory_space<vmem>>)
        %dma_wait3A_128 = arith.constant 0 : i32
        %dma_wait3A_129 = tpu.memref_slice %arg2[%multiple_of3A_123, %dma_wait3A_128] : memref<320000x128xf32, #tpu.memory_space<hbm>> -> memref<128x128xf32, #tpu.memory_space<hbm>>
        %dma_wait3A_130 = arith.constant 0 : i32
        %dma_wait3A_131 = tpu.memref_slice %arg2[%multiple_of3A_123, %dma_wait3A_130] : memref<320000x128xf32, #tpu.memory_space<hbm>> -> memref<128x128xf32, #tpu.memory_space<hbm>>
        tpu.wait_dma2 semaphore(%arg15 : memref<!tpu.dma_semaphore, #tpu.memory_space<semaphore_mem>>) src(%dma_wait3A_131 : memref<128x128xf32, #tpu.memory_space<hbm>>) dst(%arg11 : memref<128x128xf32, #tpu.memory_space<vmem>>)
        %dma_start3A_132 = arith.constant 1 : i32
        %dma_start3A_133 = arith.constant 0 : i32
        %dma_start3A_134 = tpu.memref_slice %arg8[%dma_start3A_132, %dma_start3A_133] : memref<2x128xi32, #tpu.memory_space<vmem>> -> memref<1x128xi32, #tpu.memory_space<vmem>>
        %dma_start3A_135 = tpu.memref_squeeze %dma_start3A_134 : memref<1x128xi32, #tpu.memory_space<vmem>> -> memref<128xi32, #tpu.memory_space<vmem>>
        %dma_start3A_136 = arith.constant 0 : i32
        %dma_start3A_137 = arith.constant 0 : i32
        %dma_start3A_138 = tpu.memref_slice %arg12[%dma_start3A_136, %dma_start3A_137] : memref<10000x128xf32, #tpu.memory_space<vmem_shared>> -> memref<10000x128xf32, #tpu.memory_space<vmem_shared>>
        tpu.enqueue_indirect_dma source(%arg11 : memref<128x128xf32, #tpu.memory_space<vmem>>) target(%dma_start3A_138 : memref<10000x128xf32, #tpu.memory_space<vmem_shared>>) offsets(%dma_start3A_135 : memref<128xi32, #tpu.memory_space<vmem>>) semaphore(%arg18 : memref<!tpu.dma_semaphore, #tpu.memory_space<semaphore_mem>>) {add = true}
      } else {
      }
      %add3A_94 = arith.constant 0 : i32
      %add3A_95 = arith.addi %mul3A_77, %add3A_94 : i32
      %add3A_96 = arith.constant 3 : i32
      %add3A_97 = arith.addi %add3A_95, %add3A_96 : i32
      %lt3A_98 = arith.cmpi slt, %add3A_97, %select_n3A : i32
      %convert_element_type3A_99 = arith.extui %lt3A_98 : i1 to i32
      %cond3A_100 = arith.constant 0 : i32
      %cond3A_101 = arith.cmpi ne, %convert_element_type3A_99, %cond3A_100 : i32
      scf.if %cond3A_101 {
        %dma_wait3A_118 = arith.constant 1 : i32
        %dma_wait3A_119 = arith.constant 0 : i32
        %dma_wait3A_120 = tpu.memref_slice %arg6[%dma_wait3A_118, %dma_wait3A_119] : memref<2x128xi32, #tpu.memory_space<vmem>> -> memref<1x128xi32, #tpu.memory_space<vmem>>
        %dma_wait3A_121 = tpu.memref_squeeze %dma_wait3A_120 : memref<1x128xi32, #tpu.memory_space<vmem>> -> memref<128xi32, #tpu.memory_space<vmem>>
        %dma_wait3A_122 = arith.constant 0 : i32
        %dma_wait3A_123 = arith.constant 0 : i32
        %dma_wait3A_124 = tpu.memref_slice %arg12[%dma_wait3A_122, %dma_wait3A_123] : memref<10000x128xf32, #tpu.memory_space<vmem_shared>> -> memref<10000x128xf32, #tpu.memory_space<vmem_shared>>
        tpu.wait_indirect_dma semaphore(%arg16 : memref<!tpu.dma_semaphore, #tpu.memory_space<semaphore_mem>>) src(%arg9 : memref<128x128xf32, #tpu.memory_space<vmem>>) dst(%dma_wait3A_124 : memref<10000x128xf32, #tpu.memory_space<vmem_shared>>)
        %add3A_125 = arith.constant 3 : i32
        %add3A_126 = arith.addi %add3A_95, %add3A_125 : i32
        %mul3A_127 = arith.constant 32 : i32
        %mul3A_128 = arith.muli %add3A_126, %mul3A_127 : i32
        %add3A_129 = arith.addi %mul3A_128, %add3A : i32
        %mul3A_130 = arith.constant 128 : i32
        %mul3A_131 = arith.muli %add3A_129, %mul3A_130 : i32
        %multiple_of3A_132 = tpu.assume_multiple %mul3A_131, 128 : i32
        %dma_start3A_133 = arith.constant 0 : i32
        %dma_start3A_134 = tpu.memref_slice %arg3[%dma_start3A_133, %multiple_of3A_132] : memref<2x320000xi32, #tpu.memory_space<hbm>> -> memref<2x128xi32, #tpu.memory_space<hbm>>
        %dma_start3A_135 = arith.constant 0 : i32
        %dma_start3A_136 = tpu.memref_slice %arg3[%dma_start3A_135, %multiple_of3A_132] : memref<2x320000xi32, #tpu.memory_space<hbm>> -> memref<2x128xi32, #tpu.memory_space<hbm>>
        tpu.enqueue_dma source(%dma_start3A_136 : memref<2x128xi32, #tpu.memory_space<hbm>>) target(%arg6 : memref<2x128xi32, #tpu.memory_space<vmem>>) target_semaphore(%arg13 : memref<!tpu.dma_semaphore, #tpu.memory_space<semaphore_mem>>)
        %dma_start3A_137 = arith.constant 0 : i32
        %dma_start3A_138 = tpu.memref_slice %arg2[%multiple_of3A_132, %dma_start3A_137] : memref<320000x128xf32, #tpu.memory_space<hbm>> -> memref<128x128xf32, #tpu.memory_space<hbm>>
        %dma_start3A_139 = arith.constant 0 : i32
        %dma_start3A_140 = tpu.memref_slice %arg2[%multiple_of3A_132, %dma_start3A_139] : memref<320000x128xf32, #tpu.memory_space<hbm>> -> memref<128x128xf32, #tpu.memory_space<hbm>>
        tpu.enqueue_dma source(%dma_start3A_140 : memref<128x128xf32, #tpu.memory_space<hbm>>) target(%arg9 : memref<128x128xf32, #tpu.memory_space<vmem>>) target_semaphore(%arg13 : memref<!tpu.dma_semaphore, #tpu.memory_space<semaphore_mem>>)
      } else {
      }
      %add3A_102 = arith.constant 1 : i32
      %add3A_103 = arith.addi %mul3A_77, %add3A_102 : i32
      %add3A_104 = arith.constant 3 : i32
      %add3A_105 = arith.addi %add3A_103, %add3A_104 : i32
      %lt3A_106 = arith.cmpi slt, %add3A_105, %select_n3A : i32
      %convert_element_type3A_107 = arith.extui %lt3A_106 : i1 to i32
      %cond3A_108 = arith.constant 0 : i32
      %cond3A_109 = arith.cmpi ne, %convert_element_type3A_107, %cond3A_108 : i32
      scf.if %cond3A_109 {
        %dma_wait3A_118 = arith.constant 1 : i32
        %dma_wait3A_119 = arith.constant 0 : i32
        %dma_wait3A_120 = tpu.memref_slice %arg7[%dma_wait3A_118, %dma_wait3A_119] : memref<2x128xi32, #tpu.memory_space<vmem>> -> memref<1x128xi32, #tpu.memory_space<vmem>>
        %dma_wait3A_121 = tpu.memref_squeeze %dma_wait3A_120 : memref<1x128xi32, #tpu.memory_space<vmem>> -> memref<128xi32, #tpu.memory_space<vmem>>
        %dma_wait3A_122 = arith.constant 0 : i32
        %dma_wait3A_123 = arith.constant 0 : i32
        %dma_wait3A_124 = tpu.memref_slice %arg12[%dma_wait3A_122, %dma_wait3A_123] : memref<10000x128xf32, #tpu.memory_space<vmem_shared>> -> memref<10000x128xf32, #tpu.memory_space<vmem_shared>>
        tpu.wait_indirect_dma semaphore(%arg17 : memref<!tpu.dma_semaphore, #tpu.memory_space<semaphore_mem>>) src(%arg10 : memref<128x128xf32, #tpu.memory_space<vmem>>) dst(%dma_wait3A_124 : memref<10000x128xf32, #tpu.memory_space<vmem_shared>>)
        %add3A_125 = arith.constant 3 : i32
        %add3A_126 = arith.addi %add3A_103, %add3A_125 : i32
        %mul3A_127 = arith.constant 32 : i32
        %mul3A_128 = arith.muli %add3A_126, %mul3A_127 : i32
        %add3A_129 = arith.addi %mul3A_128, %add3A : i32
        %mul3A_130 = arith.constant 128 : i32
        %mul3A_131 = arith.muli %add3A_129, %mul3A_130 : i32
        %multiple_of3A_132 = tpu.assume_multiple %mul3A_131, 128 : i32
        %dma_start3A_133 = arith.constant 0 : i32
        %dma_start3A_134 = tpu.memref_slice %arg3[%dma_start3A_133, %multiple_of3A_132] : memref<2x320000xi32, #tpu.memory_space<hbm>> -> memref<2x128xi32, #tpu.memory_space<hbm>>
        %dma_start3A_135 = arith.constant 0 : i32
        %dma_start3A_136 = tpu.memref_slice %arg3[%dma_start3A_135, %multiple_of3A_132] : memref<2x320000xi32, #tpu.memory_space<hbm>> -> memref<2x128xi32, #tpu.memory_space<hbm>>
        tpu.enqueue_dma source(%dma_start3A_136 : memref<2x128xi32, #tpu.memory_space<hbm>>) target(%arg7 : memref<2x128xi32, #tpu.memory_space<vmem>>) target_semaphore(%arg14 : memref<!tpu.dma_semaphore, #tpu.memory_space<semaphore_mem>>)
        %dma_start3A_137 = arith.constant 0 : i32
        %dma_start3A_138 = tpu.memref_slice %arg2[%multiple_of3A_132, %dma_start3A_137] : memref<320000x128xf32, #tpu.memory_space<hbm>> -> memref<128x128xf32, #tpu.memory_space<hbm>>
        %dma_start3A_139 = arith.constant 0 : i32
        %dma_start3A_140 = tpu.memref_slice %arg2[%multiple_of3A_132, %dma_start3A_139] : memref<320000x128xf32, #tpu.memory_space<hbm>> -> memref<128x128xf32, #tpu.memory_space<hbm>>
        tpu.enqueue_dma source(%dma_start3A_140 : memref<128x128xf32, #tpu.memory_space<hbm>>) target(%arg10 : memref<128x128xf32, #tpu.memory_space<vmem>>) target_semaphore(%arg14 : memref<!tpu.dma_semaphore, #tpu.memory_space<semaphore_mem>>)
      } else {
      }
      %add3A_110 = arith.constant 2 : i32
      %add3A_111 = arith.addi %mul3A_77, %add3A_110 : i32
      %add3A_112 = arith.constant 3 : i32
      %add3A_113 = arith.addi %add3A_111, %add3A_112 : i32
      %lt3A_114 = arith.cmpi slt, %add3A_113, %select_n3A : i32
      %convert_element_type3A_115 = arith.extui %lt3A_114 : i1 to i32
      %cond3A_116 = arith.constant 0 : i32
      %cond3A_117 = arith.cmpi ne, %convert_element_type3A_115, %cond3A_116 : i32
      scf.if %cond3A_117 {
        %dma_wait3A_118 = arith.constant 1 : i32
        %dma_wait3A_119 = arith.constant 0 : i32
        %dma_wait3A_120 = tpu.memref_slice %arg8[%dma_wait3A_118, %dma_wait3A_119] : memref<2x128xi32, #tpu.memory_space<vmem>> -> memref<1x128xi32, #tpu.memory_space<vmem>>
        %dma_wait3A_121 = tpu.memref_squeeze %dma_wait3A_120 : memref<1x128xi32, #tpu.memory_space<vmem>> -> memref<128xi32, #tpu.memory_space<vmem>>
        %dma_wait3A_122 = arith.constant 0 : i32
        %dma_wait3A_123 = arith.constant 0 : i32
        %dma_wait3A_124 = tpu.memref_slice %arg12[%dma_wait3A_122, %dma_wait3A_123] : memref<10000x128xf32, #tpu.memory_space<vmem_shared>> -> memref<10000x128xf32, #tpu.memory_space<vmem_shared>>
        tpu.wait_indirect_dma semaphore(%arg18 : memref<!tpu.dma_semaphore, #tpu.memory_space<semaphore_mem>>) src(%arg11 : memref<128x128xf32, #tpu.memory_space<vmem>>) dst(%dma_wait3A_124 : memref<10000x128xf32, #tpu.memory_space<vmem_shared>>)
        %add3A_125 = arith.constant 3 : i32
        %add3A_126 = arith.addi %add3A_111, %add3A_125 : i32
        %mul3A_127 = arith.constant 32 : i32
        %mul3A_128 = arith.muli %add3A_126, %mul3A_127 : i32
        %add3A_129 = arith.addi %mul3A_128, %add3A : i32
        %mul3A_130 = arith.constant 128 : i32
        %mul3A_131 = arith.muli %add3A_129, %mul3A_130 : i32
        %multiple_of3A_132 = tpu.assume_multiple %mul3A_131, 128 : i32
        %dma_start3A_133 = arith.constant 0 : i32
        %dma_start3A_134 = tpu.memref_slice %arg3[%dma_start3A_133, %multiple_of3A_132] : memref<2x320000xi32, #tpu.memory_space<hbm>> -> memref<2x128xi32, #tpu.memory_space<hbm>>
        %dma_start3A_135 = arith.constant 0 : i32
        %dma_start3A_136 = tpu.memref_slice %arg3[%dma_start3A_135, %multiple_of3A_132] : memref<2x320000xi32, #tpu.memory_space<hbm>> -> memref<2x128xi32, #tpu.memory_space<hbm>>
        tpu.enqueue_dma source(%dma_start3A_136 : memref<2x128xi32, #tpu.memory_space<hbm>>) target(%arg8 : memref<2x128xi32, #tpu.memory_space<vmem>>) target_semaphore(%arg15 : memref<!tpu.dma_semaphore, #tpu.memory_space<semaphore_mem>>)
        %dma_start3A_137 = arith.constant 0 : i32
        %dma_start3A_138 = tpu.memref_slice %arg2[%multiple_of3A_132, %dma_start3A_137] : memref<320000x128xf32, #tpu.memory_space<hbm>> -> memref<128x128xf32, #tpu.memory_space<hbm>>
        %dma_start3A_139 = arith.constant 0 : i32
        %dma_start3A_140 = tpu.memref_slice %arg2[%multiple_of3A_132, %dma_start3A_139] : memref<320000x128xf32, #tpu.memory_space<hbm>> -> memref<128x128xf32, #tpu.memory_space<hbm>>
        tpu.enqueue_dma source(%dma_start3A_140 : memref<128x128xf32, #tpu.memory_space<hbm>>) target(%arg11 : memref<128x128xf32, #tpu.memory_space<vmem>>) target_semaphore(%arg15 : memref<!tpu.dma_semaphore, #tpu.memory_space<semaphore_mem>>)
      } else {
      }
    }
    %scan3A_49 = arith.constant 27 : i32
    %dma_wait3A = arith.constant 1 : i32
    %dma_wait3A_50 = arith.constant 0 : i32
    %dma_wait3A_51 = tpu.memref_slice %arg6[%dma_wait3A, %dma_wait3A_50] : memref<2x128xi32, #tpu.memory_space<vmem>> -> memref<1x128xi32, #tpu.memory_space<vmem>>
    %dma_wait3A_52 = tpu.memref_squeeze %dma_wait3A_51 : memref<1x128xi32, #tpu.memory_space<vmem>> -> memref<128xi32, #tpu.memory_space<vmem>>
    %dma_wait3A_53 = arith.constant 0 : i32
    %dma_wait3A_54 = arith.constant 0 : i32
    %dma_wait3A_55 = tpu.memref_slice %arg12[%dma_wait3A_53, %dma_wait3A_54] : memref<10000x128xf32, #tpu.memory_space<vmem_shared>> -> memref<10000x128xf32, #tpu.memory_space<vmem_shared>>
    tpu.wait_indirect_dma semaphore(%arg16 : memref<!tpu.dma_semaphore, #tpu.memory_space<semaphore_mem>>) src(%arg9 : memref<128x128xf32, #tpu.memory_space<vmem>>) dst(%dma_wait3A_55 : memref<10000x128xf32, #tpu.memory_space<vmem_shared>>)
    %dma_wait3A_56 = arith.constant 1 : i32
    %dma_wait3A_57 = arith.constant 0 : i32
    %dma_wait3A_58 = tpu.memref_slice %arg7[%dma_wait3A_56, %dma_wait3A_57] : memref<2x128xi32, #tpu.memory_space<vmem>> -> memref<1x128xi32, #tpu.memory_space<vmem>>
    %dma_wait3A_59 = tpu.memref_squeeze %dma_wait3A_58 : memref<1x128xi32, #tpu.memory_space<vmem>> -> memref<128xi32, #tpu.memory_space<vmem>>
    %dma_wait3A_60 = arith.constant 0 : i32
    %dma_wait3A_61 = arith.constant 0 : i32
    %dma_wait3A_62 = tpu.memref_slice %arg12[%dma_wait3A_60, %dma_wait3A_61] : memref<10000x128xf32, #tpu.memory_space<vmem_shared>> -> memref<10000x128xf32, #tpu.memory_space<vmem_shared>>
    tpu.wait_indirect_dma semaphore(%arg17 : memref<!tpu.dma_semaphore, #tpu.memory_space<semaphore_mem>>) src(%arg10 : memref<128x128xf32, #tpu.memory_space<vmem>>) dst(%dma_wait3A_62 : memref<10000x128xf32, #tpu.memory_space<vmem_shared>>)
    %dma_wait3A_63 = arith.constant 1 : i32
    %dma_wait3A_64 = arith.constant 0 : i32
    %dma_wait3A_65 = tpu.memref_slice %arg8[%dma_wait3A_63, %dma_wait3A_64] : memref<2x128xi32, #tpu.memory_space<vmem>> -> memref<1x128xi32, #tpu.memory_space<vmem>>
    %dma_wait3A_66 = tpu.memref_squeeze %dma_wait3A_65 : memref<1x128xi32, #tpu.memory_space<vmem>> -> memref<128xi32, #tpu.memory_space<vmem>>
    %dma_wait3A_67 = arith.constant 0 : i32
    %dma_wait3A_68 = arith.constant 0 : i32
    %dma_wait3A_69 = tpu.memref_slice %arg12[%dma_wait3A_67, %dma_wait3A_68] : memref<10000x128xf32, #tpu.memory_space<vmem_shared>> -> memref<10000x128xf32, #tpu.memory_space<vmem_shared>>
    tpu.wait_indirect_dma semaphore(%arg18 : memref<!tpu.dma_semaphore, #tpu.memory_space<semaphore_mem>>) src(%arg11 : memref<128x128xf32, #tpu.memory_space<vmem>>) dst(%dma_wait3A_69 : memref<10000x128xf32, #tpu.memory_space<vmem_shared>>)
    %barrier3A_70 = arith.constant 0 : index
    tpu.barrier barrier_id(%barrier3A_70)
    "tpu.region"() ({
      %run_scoped3A = tpu.sem_alloc : memref<!tpu.dma_semaphore, #tpu.memory_space<semaphore_mem>>
      %dma_start3A_71 = arith.constant 0 : i32
      %dma_start3A_72 = tpu.memref_slice %arg5[%arg0, %multiple_of3A_45, %dma_start3A_71] : memref<2x10000x128xf32, #tpu.memory_space<hbm>> -> memref<1x632x128xf32, #tpu.memory_space<hbm>>
      %dma_start3A_73 = tpu.memref_squeeze %dma_start3A_72 : memref<1x632x128xf32, #tpu.memory_space<hbm>> -> memref<632x128xf32, #tpu.memory_space<hbm>>
      %dma_start3A_74 = arith.constant 0 : i32
      %dma_start3A_75 = tpu.memref_slice %arg12[%multiple_of3A_45, %dma_start3A_74] : memref<10000x128xf32, #tpu.memory_space<vmem_shared>> -> memref<632x128xf32, #tpu.memory_space<vmem_shared>>
      tpu.enqueue_dma source(%dma_start3A_75 : memref<632x128xf32, #tpu.memory_space<vmem_shared>>) target(%dma_start3A_73 : memref<632x128xf32, #tpu.memory_space<hbm>>) target_semaphore(%run_scoped3A : memref<!tpu.dma_semaphore, #tpu.memory_space<semaphore_mem>>)
      %dma_wait3A_76 = arith.constant 0 : i32
      %dma_wait3A_77 = tpu.memref_slice %arg5[%arg0, %multiple_of3A_45, %dma_wait3A_76] : memref<2x10000x128xf32, #tpu.memory_space<hbm>> -> memref<1x632x128xf32, #tpu.memory_space<hbm>>
      %dma_wait3A_78 = tpu.memref_squeeze %dma_wait3A_77 : memref<1x632x128xf32, #tpu.memory_space<hbm>> -> memref<632x128xf32, #tpu.memory_space<hbm>>
      %dma_wait3A_79 = arith.constant 0 : i32
      %dma_wait3A_80 = tpu.memref_slice %arg12[%multiple_of3A_45, %dma_wait3A_79] : memref<10000x128xf32, #tpu.memory_space<vmem_shared>> -> memref<632x128xf32, #tpu.memory_space<vmem_shared>>
      tpu.wait_dma2 semaphore(%run_scoped3A : memref<!tpu.dma_semaphore, #tpu.memory_space<semaphore_mem>>) src(%dma_wait3A_80 : memref<632x128xf32, #tpu.memory_space<vmem_shared>>) dst(%dma_wait3A_78 : memref<632x128xf32, #tpu.memory_space<hbm>>)
      tpu.yield
    }) : () -> ()
    return
  }
}

module attributes {stable_mosaic.version = 14 : i64} {
  func.func @_mlp_kernel(%arg0: i32, %arg1: memref<2000x128xf32, #tpu.memory_space<vmem>>, %arg2: memref<2x2000x128xf32, #tpu.memory_space<vmem>>, %arg3: memref<128x256xf32, #tpu.memory_space<vmem>>, %arg4: memref<128x256xf32, #tpu.memory_space<vmem>>, %arg5: memref<1x256xf32, #tpu.memory_space<vmem>>, %arg6: memref<256x128xf32, #tpu.memory_space<vmem>>, %arg7: memref<1x128xf32, #tpu.memory_space<vmem>>, %arg8: memref<2000x128xf32, #tpu.memory_space<vmem>>) attributes {dimension_semantics = [#tpu.dimension_semantics<arbitrary>], iteration_bounds = array<i64: 5>, scalar_prefetch = 0 : i64, scratch_operands = 0 : i64, tpu.core_type = #tpu.core_type<tc>, window_params = [{transform_indices = @transform_0, window_bounds = array<i64: 2000, 128>}, {transform_indices = @transform_1, window_bounds = array<i64: 2, 2000, 128>}, {pipeline_mode = #tpu.pipeline_mode<synchronous>, transform_indices = @transform_2, window_bounds = array<i64: 128, 256>}, {pipeline_mode = #tpu.pipeline_mode<synchronous>, transform_indices = @transform_3, window_bounds = array<i64: 128, 256>}, {pipeline_mode = #tpu.pipeline_mode<synchronous>, transform_indices = @transform_4, window_bounds = array<i64: 1, 256>}, {pipeline_mode = #tpu.pipeline_mode<synchronous>, transform_indices = @transform_5, window_bounds = array<i64: 256, 128>}, {pipeline_mode = #tpu.pipeline_mode<synchronous>, transform_indices = @transform_6, window_bounds = array<i64: 1, 128>}, {transform_indices = @transform_7, window_bounds = array<i64: 2000, 128>}]} {
    %get3A = arith.constant 0 : index
    %get3A_0 = arith.constant 0 : index
    %get3A_1 = arith.constant 0 : index
    %get3A_2 = vector.load %arg2[%get3A, %get3A_0, %get3A_1] : memref<2x2000x128xf32, #tpu.memory_space<vmem>>, vector<1x2000x128xf32>
    %get3A_3 = vector.shape_cast %get3A_2 : vector<1x2000x128xf32> to vector<2000x128xf32>
    %get3A_4 = arith.constant 1 : index
    %get3A_5 = arith.constant 0 : index
    %get3A_6 = arith.constant 0 : index
    %get3A_7 = vector.load %arg2[%get3A_4, %get3A_5, %get3A_6] : memref<2x2000x128xf32, #tpu.memory_space<vmem>>, vector<1x2000x128xf32>
    %get3A_8 = vector.shape_cast %get3A_7 : vector<1x2000x128xf32> to vector<2000x128xf32>
    %add3A = arith.addf %get3A_3, %get3A_8 : vector<2000x128xf32>
    %get3A_9 = arith.constant 0 : index
    %get3A_10 = arith.constant 0 : index
    %get3A_11 = vector.load %arg1[%get3A_9, %get3A_10] : memref<2000x128xf32, #tpu.memory_space<vmem>>, vector<2000x128xf32>
    %get3A_12 = arith.constant 0 : index
    %get3A_13 = arith.constant 0 : index
    %get3A_14 = vector.load %arg3[%get3A_12, %get3A_13] : memref<128x256xf32, #tpu.memory_space<vmem>>, vector<128x256xf32>
    %dot_general3A = arith.constant dense<0.000000e+00> : vector<2000x256xf32>
    %dot_general3A_15 = tpu.matmul %get3A_11, %get3A_14, %dot_general3A {dimension_numbers = #tpu.dot_dimension_numbers<[1], [0], [0], [1], [0, 0, 1, 1], [], []>, transpose_lhs_hint = false} : vector<2000x128xf32>, vector<128x256xf32>, vector<2000x256xf32> -> vector<2000x256xf32>
    %get3A_16 = arith.constant 0 : index
    %get3A_17 = arith.constant 0 : index
    %get3A_18 = vector.load %arg4[%get3A_16, %get3A_17] : memref<128x256xf32, #tpu.memory_space<vmem>>, vector<128x256xf32>
    %dot_general3A_19 = arith.constant dense<0.000000e+00> : vector<2000x256xf32>
    %dot_general3A_20 = tpu.matmul %add3A, %get3A_18, %dot_general3A_19 {dimension_numbers = #tpu.dot_dimension_numbers<[1], [0], [0], [1], [0, 0, 1, 1], [], []>, transpose_lhs_hint = false} : vector<2000x128xf32>, vector<128x256xf32>, vector<2000x256xf32> -> vector<2000x256xf32>
    %add3A_21 = arith.addf %dot_general3A_15, %dot_general3A_20 : vector<2000x256xf32>
    %get3A_22 = arith.constant 0 : index
    %get3A_23 = arith.constant 0 : index
    %get3A_24 = vector.load %arg5[%get3A_22, %get3A_23] : memref<1x256xf32, #tpu.memory_space<vmem>>, vector<1x256xf32>
    %add3A_25 = vector.broadcast %get3A_24 : vector<1x256xf32> to vector<2000x256xf32>
    %add3A_26 = arith.addf %add3A_21, %add3A_25 : vector<2000x256xf32>
    %max3A = arith.constant 0.000000e+00 : f32
    %max3A_27 = vector.broadcast %max3A : f32 to vector<2000x256xf32>
    %max3A_28 = arith.maximumf %add3A_26, %max3A_27 : vector<2000x256xf32>
    %get3A_29 = arith.constant 0 : index
    %get3A_30 = arith.constant 0 : index
    %get3A_31 = vector.load %arg6[%get3A_29, %get3A_30] : memref<256x128xf32, #tpu.memory_space<vmem>>, vector<256x128xf32>
    %dot_general3A_32 = arith.constant dense<0.000000e+00> : vector<2000x128xf32>
    %dot_general3A_33 = tpu.matmul %max3A_28, %get3A_31, %dot_general3A_32 {dimension_numbers = #tpu.dot_dimension_numbers<[1], [0], [0], [1], [0, 0, 1, 1], [], []>, transpose_lhs_hint = false} : vector<2000x256xf32>, vector<256x128xf32>, vector<2000x128xf32> -> vector<2000x128xf32>
    %get3A_34 = arith.constant 0 : index
    %get3A_35 = arith.constant 0 : index
    %get3A_36 = vector.load %arg7[%get3A_34, %get3A_35] : memref<1x128xf32, #tpu.memory_space<vmem>>, vector<1x128xf32>
    %add3A_37 = vector.broadcast %get3A_36 : vector<1x128xf32> to vector<2000x128xf32>
    %add3A_38 = arith.addf %dot_general3A_33, %add3A_37 : vector<2000x128xf32>
    %swap3A = arith.constant 0 : index
    %swap3A_39 = arith.constant 0 : index
    %swap3A_40 = vector.load %arg8[%swap3A, %swap3A_39] : memref<2000x128xf32, #tpu.memory_space<vmem>>, vector<2000x128xf32>
    tpu.vector_store %arg8[%swap3A, %swap3A_39], %add3A_38 {strides = array<i32>} : memref<2000x128xf32, #tpu.memory_space<vmem>>, vector<2000x128xf32>,
    return
  }
  func.func @transform_0(%arg0: i32) -> (i32, i32) {
    %c0_i32 = arith.constant 0 : i32
    %c0_i32_0 = arith.constant 0 : i32
    return %arg0, %c0_i32 : i32, i32
  }
  func.func @transform_1(%arg0: i32) -> (i32, i32, i32) {
    %c0_i32 = arith.constant 0 : i32
    %c0_i32_0 = arith.constant 0 : i32
    %c0_i32_1 = arith.constant 0 : i32
    return %c0_i32, %arg0, %c0_i32_0 : i32, i32, i32
  }
  func.func @transform_2(%arg0: i32) -> (i32, i32) {
    %c0_i32 = arith.constant 0 : i32
    %c0_i32_0 = arith.constant 0 : i32
    %c0_i32_1 = arith.constant 0 : i32
    return %c0_i32, %c0_i32_0 : i32, i32
  }
  func.func @transform_3(%arg0: i32) -> (i32, i32) {
    %c0_i32 = arith.constant 0 : i32
    %c0_i32_0 = arith.constant 0 : i32
    %c0_i32_1 = arith.constant 0 : i32
    return %c0_i32, %c0_i32_0 : i32, i32
  }
  func.func @transform_4(%arg0: i32) -> (i32, i32) {
    %c0_i32 = arith.constant 0 : i32
    %c0_i32_0 = arith.constant 0 : i32
    %c0_i32_1 = arith.constant 0 : i32
    return %c0_i32, %c0_i32_0 : i32, i32
  }
  func.func @transform_5(%arg0: i32) -> (i32, i32) {
    %c0_i32 = arith.constant 0 : i32
    %c0_i32_0 = arith.constant 0 : i32
    %c0_i32_1 = arith.constant 0 : i32
    return %c0_i32, %c0_i32_0 : i32, i32
  }
  func.func @transform_6(%arg0: i32) -> (i32, i32) {
    %c0_i32 = arith.constant 0 : i32
    %c0_i32_0 = arith.constant 0 : i32
    %c0_i32_1 = arith.constant 0 : i32
    return %c0_i32, %c0_i32_0 : i32, i32
  }
  func.func @transform_7(%arg0: i32) -> (i32, i32) {
    %c0_i32 = arith.constant 0 : i32
    %c0_i32_0 = arith.constant 0 : i32
    return %arg0, %c0_i32 : i32, i32
  }
}

</mosaic_0001>

<sc_bundles>
// kernel: kernel.4.cloned.1.call-start
scs
__scs_entry_jumppad:
0x0: {  	(pc) =	sbr.rel $0x88, $3  }
0x1: {  	(tag) =	ssettag $0x0;
	lr =	simm.s32 $0x1  }
0x2: {  	[smem:$0x3F9A] =	sst lr;
	_ =	strace $0xD0000000  }
0x3: {  	_ = 	snop  }
0x4: {  	_ = 	snop  }
0x5: {  	_ = 	snop  }
0x6: {  	_ = 	snop  }
0x7: {  	_ = 	snop  }
__scs_overlays_trampoline_lowered:
0x8: {  	[smem:$0x3FA9] =	sst s0  }
0x9: {  	[smem:$0x3FAA] =	sst s1  }
0xa: {  	[smem:$0x3FAB] =	sst s2  }
0xb: {  	[smem:$0x3FAC] =	sst s3  }
0xc: {  	[smem:$0x3FAD] =	sst s4  }
0xd: {  	[smem:$0x3FAE] =	sst s5  }
0xe: {  	[smem:$0x3FAF] =	sst s6  }
0xf: {  	[smem:$0x3FB0] =	sst s7  }
0x10: {  	[smem:$0x3FB1] =	sst s8  }
0x11: {  	[smem:$0x3FB2] =	sst s9;
	s0 =	simm.s32 @!p0 $0x0  }
0x12: {  	s1 =	sld [smem:$0x3F98];
	s0 =	simm.s32 @p0 $0x1  }
0x13: {  	[smem:$0x3FB3] =	sst s0;
	s0 =	simm.s32 @!p1 $0x0  }
0x14: {  	s2 =	sld [smem:$0x3F97];
	s0 =	simm.s32 @p1 $0x1  }
0x15: {  	[smem:$0x3FB4] =	sst s0;
	s0 =	simm.s32 @!p2 $0x0  }
0x16: {  	s3 =	sld [smem:$0x3FDB];
	s0 =	simm.s32 @p2 $0x1  }
0x17: {  	s4 =	simm.s32 $0x1BF5;
	[smem:$0x3FB6] =	sst s0  }
0x18: {  	s0 =	sld [smem:$0x3F99];
	_ =	swait.ge [sflag:s4], $0x0  }
0x19: {  	s7 =	sld [smem:$0x3F9A]  }
0x1a: {  	s8 =	sadd.s32 $0xFFFFE003, lr  }
0x1b: {  	s9 =	sadd.s32 $0xFFFFFEF7, lr;
	s5 =	simm.s32 $0xFFFFFFFF;
	p2 =	slt.u32 s8, $0xFFFFF086  }
0x1c: {  	p1 =	slt.u32 s9, $0xF7A;
	s5 =	simm.s32 @!p2 $0x0  }
0x1d: {  	s5 =	simm.s32 @p1 $0x1;
	p0 =	seq.s32 s7, s2  }
0x1e: {  	s7 =	smul.u32 @!p0 $0xF7A, s2;
	p2 =	seq.s32 @!p0 s5, $0x0  }
0x1f: {  	s9 =	smul.u32 $0xF7A, s1;
	s8 =	simm.s32 @!p0 $0x1BF5;
	p2 =	por !p2, p0  }
0x20: {  	[sflag:s8] =	ssyncset.s32 @!p0 $0xFFFFF086;
	s6 =	sadd.s32 @!p0 s3, s7;
	s7 =	simm.s32 @!p0 $0x108  }
0x21: {  	s3 =	sadd.s32 s3, s9;
	s6 =	sadd.s32 @!p0 $0x88, s6;
	s7 =	simm.s32 @p2 $0x1082  }
0x22: {  	[simem:s7], [sflag:s8] =	dma.local @!p0 [hbm:s6], $0xF7A  }
0x23: {  	s9 =	sor.u32 $0xD0000000, s2;
	s6 =	simm.s32 $0x108;
	_ =	swait.ge @!p0 [sflag:s8], $0x0  }
0x24: {  	s3 =	sadd.s32 $0x88, s3;
	s6 =	simm.s32 @!p1 $0x1082;
	[sflag:s4] =	ssyncset.s32 $0xFFFFF086  }
0x25: {  	[simem:s6], [sflag:s4] =	dma.local [hbm:s3], $0xF7A  }
0x26: {  	[smem:$0x3F9A] =	sst s1;
	(tag) =	ssettag s2;
	_ =	strace s9  }
0x27: {  	s1 =	sld [smem:$0x3FAA]  }
0x28: {  	s2 =	sld [smem:$0x3FAB]  }
0x29: {  	s4 =	sld [smem:$0x3FAD]  }
0x2a: {  	p0 =	seq.s32 s5, $0x0;
	s5 =	sld [smem:$0x3FAE]  }
0x2b: {  	s6 =	sld [smem:$0x3FAF]  }
0x2c: {  	s7 =	sld [smem:$0x3FB0]  }
0x2d: {  	s3 =	simm.s32 $0x108;
	s8 =	sld [smem:$0x3FB1]  }
0x2e: {  	s3 =	simm.s32 @!p0 $0x1082;
	s9 =	sld [smem:$0x3FB2]  }
0x2f: {  	lr =	sadd.s32 s0, s3;
	s0 =	sld [smem:$0x3FA9]  }
0x30: {  	s3 =	sld [smem:$0x3FAC]  }
0x31: {  	[smem:$0x3FB5] =	sst s10  }
0x32: {  	s10 =	sld [smem:$0x3FB3];
	_ =	sdelay $0x3  }
0x33: {  	p0 =	seq.s32 s10, $0x1;
	s10 =	sld [smem:$0x3FB5];
	_ =	sdelay $0x3  }
0x34: {  	[smem:$0x3FB5] =	sst s10  }
0x35: {  	s10 =	sld [smem:$0x3FB4];
	_ =	sdelay $0x3  }
0x36: {  	p1 =	seq.s32 s10, $0x1;
	s10 =	sld [smem:$0x3FB5];
	_ =	sdelay $0x3  }
0x37: {  	[smem:$0x3FB5] =	sst s10  }
0x38: {  	s10 =	sld [smem:$0x3FB6]  }
0x39: {  	_ = 	snop;
	(pc) =	sbr.ind lr, $3  }
0x3a: {  	_ = 	snop  }
0x3b: {  	_ = 	snop  }
0x3c: {  	p2 =	seq.s32 s10, $0x1;
	s10 =	sld [smem:$0x3FB5]  }
0x3d: {  	_ =	shalt  }
0x3e: {  	_ =	shalt  }
0x3f: {  	_ =	shalt  }
0x40: {  	_ =	shalt  }
0x41: {  	_ =	shalt  }
0x42: {  	_ =	shalt  }
0x43: {  	_ =	shalt  }
0x44: {  	_ =	shalt  }
0x45: {  	_ =	shalt  }
0x46: {  	_ =	shalt  }
0x47: {  	_ =	shalt  }
0x48: {  	_ =	shalt  }
0x49: {  	_ =	shalt  }
0x4a: {  	_ =	shalt  }
0x4b: {  	_ =	shalt  }
0x4c: {  	_ =	shalt  }
0x4d: {  	_ =	shalt  }
0x4e: {  	_ =	shalt  }
0x4f: {  	_ =	shalt  }
0x50: {  	_ =	shalt  }
0x51: {  	_ =	shalt  }
0x52: {  	_ =	shalt  }
0x53: {  	_ =	shalt  }
0x54: {  	_ =	shalt  }
0x55: {  	_ =	shalt  }
0x56: {  	_ =	shalt  }
0x57: {  	_ =	shalt  }
0x58: {  	_ =	shalt  }
0x59: {  	_ =	shalt  }
0x5a: {  	_ =	shalt  }
0x5b: {  	_ =	shalt  }
0x5c: {  	_ =	shalt  }
0x5d: {  	_ =	shalt  }
0x5e: {  	_ =	shalt  }
0x5f: {  	_ =	shalt  }
0x60: {  	_ =	shalt  }
0x61: {  	_ =	shalt  }
0x62: {  	_ =	shalt  }
0x63: {  	_ =	shalt  }
0x64: {  	_ =	shalt  }
0x65: {  	_ =	shalt  }
0x66: {  	_ =	shalt  }
0x67: {  	_ =	shalt  }
0x68: {  	_ =	shalt  }
0x69: {  	_ =	shalt  }
0x6a: {  	_ =	shalt  }
0x6b: {  	_ =	shalt  }
0x6c: {  	_ =	shalt  }
0x6d: {  	_ =	shalt  }
0x6e: {  	_ =	shalt  }
0x6f: {  	_ =	shalt  }
0x70: {  	_ =	shalt  }
0x71: {  	_ =	shalt  }
0x72: {  	_ =	shalt  }
0x73: {  	_ =	shalt  }
0x74: {  	_ =	shalt  }
0x75: {  	_ =	shalt  }
0x76: {  	_ =	shalt  }
0x77: {  	_ =	shalt  }
0x78: {  	_ =	shalt  }
0x79: {  	_ =	shalt  }
0x7a: {  	_ =	shalt  }
0x7b: {  	_ =	shalt  }
0x7c: {  	_ =	shalt  }
0x7d: {  	_ =	shalt  }
0x7e: {  	_ =	shalt  }
0x7f: {  	_ =	shalt  }
0x80: {  	_ =	shalt  }
0x81: {  	_ =	shalt  }
0x82: {  	_ =	shalt  }
0x83: {  	_ =	shalt  }
0x84: {  	_ =	shalt  }
0x85: {  	_ =	shalt  }
0x86: {  	_ =	shalt  }
0x87: {  	_ =	shalt  }
.Lfunc_end0:
.L_simem_size_0:
called_computation_lowered:
.L_overlay_start_0:
0x88: {  	s2 =	sld [smem:$0x3FD9]  }
0x89: {  	s3 =	sld [smem:$0x3FFE];
	_ =	sdelay $0x1  }
0x8a: {  	s1 =	srdreg.scid  }
0x8b: {  	s0 =	sand.u32 $0x1, s1  }
0x8c: {  	s17 =	sshll.u32 s0, $0xA;
	s2 =	sadd.s32 s3, s2  }
0x8d: {  	s2 =	sadd.s32 s2, s17  }
0x8e: {  	[smem:$0x3FC1] =	sst s2  }
0x8f: {  	_ = 	snop  }
0x90: {  	s2 =	sld [smem:$0x3FC8]  }
0x91: {  	s18 =	sld [smem:$0x3FC7]  }
0x92: {  	s4 =	sld [smem:$0x3FD0];
	(tm) =	ssettm $0x1  }
0x93: {  	s5 =	sld [smem:$0x3FFB];
	_ =	sdelay $0x3  }
0x94: {  	_ =	strace s5  }
0x95: {  	s5 =	sld [smem:$0x3FFC];
	_ =	sdelay $0x3  }
0x96: {  	_ =	strace s5  }
0x97: {  	s5 =	sld [smem:$0x3FFD];
	_ =	sdelay $0x3  }
0x98: {  	_ =	strace s5  }
0x99: {  	_ =	strace $0x8FFFFFFF  }
0x9a: {  	s19 =	sld [smem:$0x3FDB];
	_ =	sdelay $0x1  }
0x9b: {  	s6 =	simm.s32 $_scs_section_size  }
0x9c: {  	s7 =	simm.s32 $_size__tile_overlayer_lowered;
	s8 =	simm.s32 $_tile_overlayer_lowered  }
0x9d: {  	s22 =	simm.s32 $0x1BFF;
	s21 =	sshll.u32 s8, $0x1;
	s5 =	sadd.s32 s6, s19  }
0x9e: {  	s9 =	simm.s32 $0x0;
	s20 =	sshll.u32 s7, $0x1;
	s7 =	sadd.s32 s21, s5  }
0x9f: {  	[timem:s9], [sflag:s22] =	dma.local [hbm:s7], s20  }
0xa0: {  	_ =	swait.ge [sflag:s22], s20  }
0xa1: {  	s6 =	ssub.s32 $0x0, s20;
	[sflag:s22] =	ssyncset.done $0x0  }
0xa2: {  	[sflag:s22] =	ssyncadd.s32 s6;
	_ =	sdelay $0x1  }
0xa3: {  	s23 =	simm.s32 $0x1B8B  }
0xa4: {  	_ =	swait.ge [sflag:s23], $0x1  }
0xa5: {  	[sflag:s23] =	ssyncset.done $0x0  }
0xa6: {  	s25 =	simm.s32 $0x1B8E;
	s24 =	sld [smem:$0x3FFE];
	[sflag:s23] =	ssyncadd.s32 $0xFFFFFFFF  }
0xa7: {  	s26 =	simm.s32 $execute0_lowered;
	[smem:$0x3FD2] =	sst s25  }
0xa8: {  	s7 =	sshll.u32 s26, $0x1;
	_ =	strace $0x80000046;
	[dreg:$0x1] =	wrdreg $0xFFFFFFFF  }
0xa9: {  	s28 =	simm.s32 $_size_execute0_lowered;
	s5 =	sadd.s32 s5, s7;
	[dreg:$0x0] =	wrdreg $0x0  }
0xaa: {  	s7 =	sshll.u32 s28, $0x1;
	[dreg:$0x2] =	wrdreg s5  }
0xab: {  	[dreg:$0x3] =	wrdreg s7  }
0xac: {  	[dreg:$0x4] =	wrdreg $0xC0  }
0xad: {  	_ =	task [dreg:s9], $0x5FFFF  }
0xae: {  	[dreg:$0x1] =	wrdreg $0xFFFFFFFF  }
0xaf: {  	[dreg:$0x0] =	wrdreg $0x60  }
0xb0: {  	[dreg:$0x2] =	wrdreg s18  }
0xb1: {  	[dreg:$0x3] =	wrdreg s2  }
0xb2: {  	[dreg:$0x4] =	wrdreg s4  }
0xb3: {  	[dreg:$0x5] =	wrdreg s24  }
0xb4: {  	[dreg:$0x6] =	wrdreg $0xC3000  }
0xb5: {  	[dreg:$0x7] =	wrdreg $0x9  }
0xb6: {  	_ =	task.clear_ibuf [dreg:s9], $0x8FFFF;
	_ =	strace $0x90000046  }
0xb7: {  	s29 =	simm.s32 $0x9;
	_ =	strace $0x80000048  }
0xb8: {  	_ =	swait.ge [sflag:s29], $0x1  }
0xb9: {  	[sflag:s29] =	ssyncadd.s32 $0xFFFFFFFF  }
0xba: {  	_ =	strace $0x90000048  }
0xbb: {  	_ =	sfence  }
0xbc: {  	s30 =	sld [smem:$0x0];
	_ =	sdelay $0x2  }
0xbd: {  	s31 =	sshll.u32 s1, $0xD;
	s1 =	sshrl.u32 s1, $0x2  }
0xbe: {  	s3 =	sand.u32 $0x4000, s31;
	s1 =	sadd.s32 s1, s30  }
0xbf: {  	s0 =	sor.u32 s3, s0;
	s1 =	sshll.u32 s1, $0x11  }
0xc0: {  	s0 =	sor.u32 s1, s0  }
0xc1: {  	s0 =	sadd.s32 $0x8F2B, s0  }
0xc2: {  	[sflag:s0] =	ssyncadd.remote.s32 $0x1  }
0xc3: {  	_ =	sfence.sel $0xFFFF  }
0xc4: {  	[dreg:$0x0] =	wrdreg $0xFFFFFFFF;
	(pc) =	sbr.abs _section_cstart, $3  }
0xc5: {  	[dreg:$0x1] =	wrdreg $0xFFFFFFFF  }
0xc6: {  	_ =	task.clear_ibuf [dreg:s9], $0x2FFFF;
	_ =	strace $0x9FFFFFFF  }
0xc7: {  	(tm) =	ssettm $0x7FFFFFFF  }
tec
execute0_lowered:
.L_overlay_start_1:
0x0: {  	(tag) =	ssettag $0x1  }
0x1: {  	s0 =	rddreg [dreg:$0x0]  }
0x2: {  	s1 =	rddreg [dreg:$0x1]  }
0x3: {  	s2 =	rddreg [dreg:$0x2]  }
0x4: {  	s5 =	rddreg [dreg:$0x3]  }
0x5: {  	s3 =	rddreg [dreg:$0x4];
	s17 =	stileid.u32  }
0x6: {  	s4 =	srdreg.scid;
	s28 =	simm.s32 $0x4;
	s29 =	simm.s32 $0x5  }
0x7: {  	s30 =	simm.s32 $0x6;
	s31 =	simm.s32 $0x0;
	s6 =	smul.u32 $0x270, s17  }
0x8: {  	s7 =	sand.u32 $0x1, s4;
	p0 =	seq.s32 s17, $0xF;
	s4 =	simm.s32 $0x0  }
0x9: {  	s12 =	sshll.u32 s17, $0x1;
	s16 =	sshll.u32 s17, $0x6;
	s19 =	sshll.u32 s17, $0x8  }
0xa: {  	s8 =	smul.u32 $0x138800, s7;
	[smem:$0x7FF] =	sst s4;
	s10 =	ssub.s32 $0x2, s7  }
0xb: {  	s21 =	sor.u32 s7, s12;
	s20 =	sshll.u32 s7, $0x7;
	s6 =	simm.s32 @p0 $0x2498  }
0xc: {  	_ =	strace $0x80000047;
	s11 =	sshrl.u32 s10, $0x1;
	p0 =	slt.u32 s17, $0x2  }
0xd: {  	s12 =	sshll.u32 s21, $0x7;
	s13 =	sshll.u32 s21, $0x5;
	s9 =	sshll.u32 s6, $0x7  }
0xe: {  	s10 =	ssub.s32 s10, s11;
	s14 =	sor.u32 $0x1000, s12;
	s13 =	sadd.s32 s1, s13  }
0xf: {  	s11 =	sshll.u32 s21, $0xB;
	s24 =	sor.u32 $0x2000, s12;
	s6 =	sshll.u32 s6, $0x4  }
0x10: {  	s21 =	sshll.u32 s17, $0xC;
	s8 =	sadd.s32 s8, s9;
	[dreg:$0x8] =	wrdreg s13  }
0x11: {  	s22 =	sshrl.u32 s14, $0x2;
	s11 =	sadd.s32 s0, s11;
	s25 =	sshll.u32 s14, $0x4  }
0x12: {  	s26 =	sshrl.u32 s24, $0x2;
	s9 =	sadd.s32 s9, s3;
	[dreg:$0x9] =	wrdreg s11  }
0x13: {  	s2 =	sadd.s32 s2, s6;
	s8 =	sshrl.u32 s8, $0x3;
	[dreg:$0xe] =	wrdreg s9  }
0x14: {  	s23 =	sadd.s32 s1, s22;
	s11 =	sshll.u32 s24, $0x4;
	[dreg:$0xf] =	wrdreg s2  }
0x15: {  	s12 =	sadd.s32 s0, s25;
	s14 =	sadd.s32 s1, s26;
	[dreg:$0xa] =	wrdreg s23  }
0x16: {  	s2 =	sor.u32 s20, s19;
	s22 =	sshll.u32 s7, $0xB;
	[dreg:$0xb] =	wrdreg s12  }
0x17: {  	s8 =	sadd.s32 s8, s5;
	s5 =	simm.s32 $0x4F;
	[dreg:$0xc] =	wrdreg s14  }
0x18: {  	s11 =	sadd.s32 s0, s11;
	s14 =	sor.u32 $0x1C07, s16;
	s16 =	smax.u32 s10, $0x1  }
0x19: {  	s0 =	sadd.s32 s21, s0;
	s23 =	sor.u32 $0x5000, s2;
	s25 =	sor.u32 $0x4000, s2  }
0x1a: {  	s20 =	sor.u32 $0x3000, s2;
	s5 =	simm.s32 @!p0 $0x4E;
	[dreg:$0xd] =	wrdreg s11  }
0x1b: {  	s0 =	sadd.s32 s22, s0;
	s24 =	sshrl.u32 s23, $0x2;
	s26 =	sshrl.u32 s25, $0x2  }
0x1c: {  	s15 =	sadd.s32 $0xFFFFFFFF, s5;
	s18 =	sadd.s32 $0xFFFFFFFE, s5;
	s7 =	sadd.s32 $0x50000, s0  }
0x1d: {  	s19 =	sadd.s32 s26, s1;
	s26 =	simm.s32 $0x7;
	[dreg:$0x6] =	wrdreg s15  }
0x1e: {  	[dreg:$0x7] =	wrdreg s18;
	s15 =	sadd.s32 $0x1200, s8;
	s18 =	sadd.s32 s24, s1  }
.LBB2_1:
0x1f: {  	s0 =	rddreg [dreg:$0x8]  }
0x20: {  	s8 =	rddreg [dreg:$0x9]  }
0x21: {  	s9 =	rddreg [dreg:$0xa]  }
0x22: {  	[tilespmem:s4], [sflag:$0x1] =	stream.linear.gather [hbm4b:s0+s4], $0x100, $0x38;
	[tilespmem:$0x1FB80] =	vst v63  }
0x23: {  	s2 =	simm.s32 $0x300;
	s11 =	rddreg [dreg:$0xb]  }
0x24: {  	[tilespmem:s2], [sflag:$0x1] =	stream.linear.gather [hbm4b:s8+s4], $0x4000, $0x38;
	[tilespmem:$0x1FB80] =	vst v63  }
0x25: {  	s10 =	simm.s32 $0x100;
	s13 =	rddreg [dreg:$0xc]  }
0x26: {  	[tilespmem:s10], [sflag:$0x2] =	stream.linear.gather [hbm4b:s9+s4], $0x100, $0x38;
	[tilespmem:$0x1FB80] =	vst v63  }
0x27: {  	s12 =	simm.s32 $0x4300;
	s21 =	rddreg [dreg:$0xd]  }
0x28: {  	[tilespmem:s12], [sflag:$0x2] =	stream.linear.gather [hbm4b:s11+s4], $0x4000, $0x38;
	[tilespmem:$0x1FB80] =	vst v63  }
0x29: {  	s17 =	simm.s32 $0x200;
	s23 =	rddreg [dreg:$0xe]  }
0x2a: {  	[tilespmem:s17], [sflag:$0x3] =	stream.linear.gather [hbm4b:s13+s4], $0x100, $0x38;
	[tilespmem:$0x1FB80] =	vst v63  }
0x2b: {  	s22 =	simm.s32 $0x8300;
	s24 =	rddreg [dreg:$0xf];
	s2 =	sshrl.u32 s23, $0x3  }
0x2c: {  	[tilespmem:s22], [sflag:$0x3] =	stream.linear.gather [hbm4b:s21+s4], $0x4000, $0x38;
	[tilespmem:$0x1FB80] =	vst v63  }
0x2d: {  	[spmem:s2], [sflag:s14] =	dma.local [hbm:s24], $0x2780  }
0x2e: {  	_ =	swait.ge [sflag:s26], $0x2780  }
0x2f: {  	p0 =	sle.u32 s5, $0x0;
	[sflag:s26] =	ssyncset.done $0x0  }
0x30: {  	p0 =	por p0, p0;
	[sflag:s26] =	ssyncadd.s32 $0xFFFFD880  }
0x31: {  	s0 =	simm.s32 @!p0 $0x1;
	[bflag:$0x0] =	sbarrier.arrive $0xFFFF  }
0x32: {  	_ =	swait.ge @!p0 [sflag:s0], $0x100  }
0x33: {  	[sflag:s0] =	ssyncset.done @!p0 $0x0  }
0x34: {  	[sflag:s0] =	ssyncadd.s32 @!p0 $0xFFFFFF00  }
0x35: {  	_ =	swait.ge @!p0 [sflag:s0], $0x4000  }
0x36: {  	s8 =	simm.s32 @!p0 $0x300;
	[sflag:s0] =	ssyncset.done @!p0 $0x0  }
0x37: {  	s6 =	rddreg [dreg:$0x6];
	[sflag:s0] =	ssyncadd.s32 @!p0 $0xFFFFC000;
	s0 =	simm.s32 @!p0 $0x80  }
0x38: {  	[spmem:s3] =	stream.indirect.scatter.add.f32 @!p0 [tilespmem:s8], [sflag:$0x4], $0x80, s0, s0, $0xb8;
	[tilespmem:$0x1FB80] =	vst v63  }
0x39: {  	p0 =	sle.u32 s6, $0x0  }
0x3a: {  	s0 =	simm.s32 @!p0 $0x2  }
0x3b: {  	_ =	swait.ge @!p0 [sflag:s0], $0x100  }
0x3c: {  	[sflag:s0] =	ssyncset.done @!p0 $0x0  }
0x3d: {  	[sflag:s0] =	ssyncadd.s32 @!p0 $0xFFFFFF00  }
0x3e: {  	s6 =	simm.s32 @!p0 $0x4300;
	_ =	swait.ge @!p0 [sflag:s0], $0x4000  }
0x3f: {  	s9 =	simm.s32 @!p0 $0x180;
	[sflag:s0] =	ssyncset.done @!p0 $0x0;
	s25 =	rddreg [dreg:$0x7]  }
0x40: {  	[sflag:s0] =	ssyncadd.s32 @!p0 $0xFFFFC000;
	s0 =	simm.s32 @!p0 $0x80;
	p1 =	sle.u32 s25, $0x0  }
0x41: {  	[spmem:s3] =	stream.indirect.scatter.add.f32 @!p0 [tilespmem:s6], [sflag:$0x5], $0x80, s9, s0, $0xb8;
	[tilespmem:$0x1FB80] =	vst v63  }
0x42: {  	s0 =	simm.s32 @!p1 $0x3  }
0x43: {  	_ =	swait.ge @!p1 [sflag:s0], $0x100  }
0x44: {  	[sflag:s0] =	ssyncset.done @!p1 $0x0  }
0x45: {  	[sflag:s0] =	ssyncadd.s32 @!p1 $0xFFFFFF00  }
0x46: {  	s6 =	simm.s32 @!p1 $0x280;
	_ =	swait.ge @!p1 [sflag:s0], $0x4000  }
0x47: {  	s8 =	simm.s32 @!p1 $0x8300;
	p0 =	sle.u32 s5, $0x3;
	[sflag:s0] =	ssyncset.done @!p1 $0x0  }
0x48: {  	s9 =	simm.s32 @!p0 $0x4;
	[sflag:s0] =	ssyncadd.s32 @!p1 $0xFFFFC000;
	s0 =	simm.s32 @!p1 $0x80  }
0x49: {  	[spmem:s3] =	stream.indirect.scatter.add.f32 @!p1 [tilespmem:s8], [sflag:$0x6], $0x80, s6, s0, $0xb8;
	[tilespmem:$0x1FB80] =	vst v63  }
0x4a: {  	_ =	swait.ge @!p0 [sflag:s9], $0x4000  }
0x4b: {  	s0 =	sshrl.u32 @!p0 s20, $0x2;
	[sflag:s9] =	ssyncset.done @!p0 $0x0  }
0x4c: {  	s6 =	simm.s32 @!p0 $0x0;
	s0 =	sadd.s32 @!p0 s1, s0;
	[sflag:s9] =	ssyncadd.s32 @!p0 $0xFFFFC000  }
0x4d: {  	[tilespmem:s6], [sflag:$0x1] =	stream.linear.gather @!p0 [hbm4b:s0+s6], $0x100, $0x38;
	[tilespmem:$0x1FB80] =	vst v63  }
0x4e: {  	s8 =	simm.s32 @!p0 $0x300;
	p1 =	sle.u32 s5, $0x4;
	s0 =	sadd.s32 @!p0 $0xFFFE0000, s7  }
0x4f: {  	[tilespmem:s8], [sflag:$0x1] =	stream.linear.gather @!p0 [hbm4b:s0+s6], $0x4000, $0x38;
	[tilespmem:$0x1FB80] =	vst v63  }
0x50: {  	p2 =	sle.u32 s5, $0x5;
	s0 =	simm.s32 @!p1 $0x5  }
0x51: {  	p6 =	sle.u32 s5, $0x3;
	s23 =	simm.s32 $0x3;
	_ =	swait.ge @!p1 [sflag:s0], $0x4000  }
0x52: {  	s10 =	simm.s32 @!p2 $0x0;
	s11 =	simm.s32 @!p2 $0x8300;
	[sflag:s0] =	ssyncset.done @!p1 $0x0  }
0x53: {  	s6 =	simm.s32 @!p1 $0x100;
	s8 =	simm.s32 @!p1 $0x0;
	[sflag:s0] =	ssyncadd.s32 @!p1 $0xFFFFC000  }
0x54: {  	[tilespmem:s6], [sflag:$0x2] =	stream.linear.gather @!p1 [hbm4b:s19+s8], $0x100, $0x38;
	[tilespmem:$0x1FB80] =	vst v63  }
0x55: {  	s9 =	simm.s32 @!p2 $0x6;
	s0 =	sadd.s32 @!p1 $0xFFFF0000, s7;
	s6 =	simm.s32 @!p1 $0x4300  }
0x56: {  	[tilespmem:s6], [sflag:$0x2] =	stream.linear.gather @!p1 [hbm4b:s0+s8], $0x4000, $0x38;
	[tilespmem:$0x1FB80] =	vst v63  }
0x57: {  	s17 =	smov.u32 s7;
	s22 =	sadd.s32 $0xC00, s19;
	_ =	swait.ge @!p2 [sflag:s9], $0x4000  }
0x58: {  	s21 =	sadd.s32 $0x30000, s7;
	s24 =	sadd.s32 $0x3000, s20;
	[sflag:s9] =	ssyncset.done @!p2 $0x0  }
0x59: {  	s25 =	simm.s32 $0x6;
	s0 =	simm.s32 @!p2 $0x200;
	[sflag:s9] =	ssyncadd.s32 @!p2 $0xFFFFC000  }
0x5a: {  	[tilespmem:s0], [sflag:$0x3] =	stream.linear.gather @!p2 [hbm4b:s18+s10], $0x100, $0x38;
	[tilespmem:$0x1FB80] =	vst v63  }
0x5b: {  	p0 =	por p6, p6;
	s6 =	simm.s32 $0x6;
	s0 =	sadd.s32 $0xC00, s18  }
.LBB2_2:
0x5c: {  	s12 =	simm.s32 @!p0 $0x1  }
0x5d: {  	[tilespmem:s11], [sflag:$0x3] =	stream.linear.gather @!p2 [hbm4b:s17+s10], $0x4000, $0x38;
	[tilespmem:$0x1FB80] =	vst v63  }
0x5e: {  	_ =	swait.ge @!p0 [sflag:s12], $0x100  }
0x5f: {  	[sflag:s12] =	ssyncset.done @!p0 $0x0  }
0x60: {  	[sflag:s12] =	ssyncadd.s32 @!p0 $0xFFFFFF00  }
0x61: {  	_ =	swait.ge @!p0 [sflag:s12], $0x4000  }
0x62: {  	s11 =	simm.s32 @!p0 $0x80;
	[sflag:s12] =	ssyncset.done @!p0 $0x0;
	s13 =	rddreg [dreg:$0x6]  }
0x63: {  	[sflag:s12] =	ssyncadd.s32 @!p0 $0xFFFFC000;
	s12 =	simm.s32 @!p0 $0x300;
	p2 =	sge.u32 s23, s13  }
0x64: {  	[spmem:s3] =	stream.indirect.scatter.add.f32 @!p0 [tilespmem:s12], [sflag:$0x4], $0x80, s11, s11, $0xb8;
	[tilespmem:$0x1FB80] =	vst v63  }
0x65: {  	s10 =	simm.s32 @!p2 $0x2  }
0x66: {  	_ =	swait.ge @!p2 [sflag:s10], $0x100  }
0x67: {  	[sflag:s10] =	ssyncset.done @!p2 $0x0  }
0x68: {  	p3 =	sge.u32 s6, s5;
	[sflag:s10] =	ssyncadd.s32 @!p2 $0xFFFFFF00  }
0x69: {  	p0 =	por p3, p3;
	s11 =	simm.s32 @!p2 $0x4300;
	_ =	swait.ge @!p2 [sflag:s10], $0x4000  }
0x6a: {  	s13 =	simm.s32 @!p2 $0x180;
	[sflag:s10] =	ssyncset.done @!p2 $0x0;
	s12 =	rddreg [dreg:$0x7]  }
0x6b: {  	[sflag:s10] =	ssyncadd.s32 @!p2 $0xFFFFC000;
	s10 =	simm.s32 @!p2 $0x80;
	p3 =	sge.u32 s23, s12  }
0x6c: {  	[spmem:s3] =	stream.indirect.scatter.add.f32 @!p2 [tilespmem:s11], [sflag:$0x5], $0x80, s13, s10, $0xb8;
	[tilespmem:$0x1FB80] =	vst v63  }
0x6d: {  	s10 =	simm.s32 @!p3 $0x3  }
0x6e: {  	_ =	swait.ge @!p3 [sflag:s10], $0x100  }
0x6f: {  	[sflag:s10] =	ssyncset.done @!p3 $0x0  }
0x70: {  	[sflag:s10] =	ssyncadd.s32 @!p3 $0xFFFFFF00  }
0x71: {  	s11 =	simm.s32 @!p3 $0x280;
	_ =	swait.ge @!p3 [sflag:s10], $0x4000  }
0x72: {  	s12 =	simm.s32 @!p3 $0x8300;
	p2 =	sge.u32 s25, s5;
	[sflag:s10] =	ssyncset.done @!p3 $0x0  }
0x73: {  	s13 =	simm.s32 @!p2 $0x4;
	[sflag:s10] =	ssyncadd.s32 @!p3 $0xFFFFC000;
	s10 =	simm.s32 @!p3 $0x80  }
0x74: {  	[spmem:s3] =	stream.indirect.scatter.add.f32 @!p3 [tilespmem:s12], [sflag:$0x6], $0x80, s11, s10, $0xb8;
	[tilespmem:$0x1FB80] =	vst v63  }
0x75: {  	s9 =	smov.u32 s6;
	s6 =	sadd.s32 $0x3, s6;
	_ =	swait.ge @!p2 [sflag:s13], $0x4000  }
0x76: {  	s10 =	sshrl.u32 @!p2 s24, $0x2;
	s11 =	simm.s32 @!p2 $0x0;
	[sflag:s13] =	ssyncset.done @!p2 $0x0  }
0x77: {  	s12 =	sadd.s32 $0x4, s23;
	s10 =	sadd.s32 @!p2 s1, s10;
	[sflag:s13] =	ssyncadd.s32 @!p2 $0xFFFFC000  }
0x78: {  	[tilespmem:s11], [sflag:$0x1] =	stream.linear.gather @!p2 [hbm4b:s10+s11], $0x100, $0x38;
	[tilespmem:$0x1FB80] =	vst v63  }
0x79: {  	p3 =	sge.u32 s12, s5;
	s13 =	simm.s32 @!p2 $0x300;
	s10 =	sadd.s32 @!p2 $0xFFFE0000, s21  }
0x7a: {  	[tilespmem:s13], [sflag:$0x1] =	stream.linear.gather @!p2 [hbm4b:s10+s11], $0x4000, $0x38;
	[tilespmem:$0x1FB80] =	vst v63  }
0x7b: {  	s8 =	smov.u32 s0;
	s17 =	smov.u32 s21;
	s10 =	simm.s32 @!p3 $0x5  }
0x7c: {  	s0 =	sadd.s32 $0xC00, s0;
	p1 =	sne.s32 s6, $0x51;
	_ =	swait.ge @!p3 [sflag:s10], $0x4000  }
0x7d: {  	s25 =	smov.u32 s6;
	s23 =	sadd.s32 $0x5, s23;
	[sflag:s10] =	ssyncset.done @!p3 $0x0  }
0x7e: {  	s11 =	simm.s32 @!p3 $0x100;
	s13 =	simm.s32 @!p3 $0x0;
	[sflag:s10] =	ssyncadd.s32 @!p3 $0xFFFFC000  }
0x7f: {  	[tilespmem:s11], [sflag:$0x2] =	stream.linear.gather @!p3 [hbm4b:s22+s13], $0x100, $0x38;
	[tilespmem:$0x1FB80] =	vst v63  }
0x80: {  	s12 =	simm.s32 @!p3 $0x4300;
	p2 =	sge.u32 s23, s5;
	s10 =	sadd.s32 @!p3 $0xFFFF0000, s21  }
0x81: {  	[tilespmem:s12], [sflag:$0x2] =	stream.linear.gather @!p3 [hbm4b:s10+s13], $0x4000, $0x38;
	[tilespmem:$0x1FB80] =	vst v63  }
.Ltmp0:
0x82: {  	s24 =	sadd.s32 $0x3000, s24;
	s11 =	simm.s32 @!p2 $0x6;
	(pc) =	sbr.rel @p1 .LBB2_2-.Ltmp0, $4  }
0x83: {  	s23 =	smov.u32 s9;
	s9 =	simm.s32 @!p2 $0x200;
	_ =	swait.ge @!p2 [sflag:s11], $0x4000  }
0x84: {  	s21 =	sadd.s32 $0x30000, s21;
	s22 =	sadd.s32 $0xC00, s22;
	[sflag:s11] =	ssyncset.done @!p2 $0x0  }
0x85: {  	s10 =	simm.s32 @!p2 $0x0;
	[sflag:s11] =	ssyncadd.s32 @!p2 $0xFFFFC000;
	s11 =	simm.s32 @!p2 $0x8300  }
0x86: {  	[tilespmem:s9], [sflag:$0x3] =	stream.linear.gather @!p2 [hbm4b:s8+s10], $0x100, $0x38;
	[tilespmem:$0x1FB80] =	vst v63  }
0x87: {  	s6 =	simm.s32 @!p0 $0x1  }
0x88: {  	[tilespmem:s11], [sflag:$0x3] =	stream.linear.gather @!p2 [hbm4b:s17+s10], $0x4000, $0x38;
	[tilespmem:$0x1FB80] =	vst v63  }
0x89: {  	_ =	swait.ge @!p0 [sflag:s6], $0x100  }
0x8a: {  	[sflag:s6] =	ssyncset.done @!p0 $0x0  }
0x8b: {  	[sflag:s6] =	ssyncadd.s32 @!p0 $0xFFFFFF00  }
0x8c: {  	_ =	swait.ge @!p0 [sflag:s6], $0x4000  }
0x8d: {  	s9 =	simm.s32 @!p0 $0x300;
	[sflag:s6] =	ssyncset.done @!p0 $0x0  }
0x8e: {  	s8 =	rddreg [dreg:$0x6];
	[sflag:s6] =	ssyncadd.s32 @!p0 $0xFFFFC000;
	s6 =	simm.s32 @!p0 $0x80  }
0x8f: {  	[spmem:s3] =	stream.indirect.scatter.add.f32 @!p0 [tilespmem:s9], [sflag:$0x4], $0x80, s6, s6, $0xb8;
	[tilespmem:$0x1FB80] =	vst v63  }
0x90: {  	p0 =	sge.u32 s23, s8  }
0x91: {  	s6 =	simm.s32 @!p0 $0x2  }
0x92: {  	_ =	swait.ge @!p0 [sflag:s6], $0x100  }
0x93: {  	[sflag:s6] =	ssyncset.done @!p0 $0x0  }
0x94: {  	[sflag:s6] =	ssyncadd.s32 @!p0 $0xFFFFFF00  }
0x95: {  	s8 =	simm.s32 @!p0 $0x4300;
	_ =	swait.ge @!p0 [sflag:s6], $0x4000  }
0x96: {  	s10 =	simm.s32 @!p0 $0x180;
	[sflag:s6] =	ssyncset.done @!p0 $0x0;
	s17 =	rddreg [dreg:$0x7]  }
0x97: {  	[sflag:s6] =	ssyncadd.s32 @!p0 $0xFFFFC000;
	s6 =	simm.s32 @!p0 $0x80;
	p1 =	sge.u32 s23, s17  }
0x98: {  	[spmem:s3] =	stream.indirect.scatter.add.f32 @!p0 [tilespmem:s8], [sflag:$0x5], $0x80, s10, s6, $0xb8;
	[tilespmem:$0x1FB80] =	vst v63  }
0x99: {  	s6 =	simm.s32 @!p1 $0x3  }
0x9a: {  	_ =	swait.ge @!p1 [sflag:s6], $0x100  }
0x9b: {  	[sflag:s6] =	ssyncset.done @!p1 $0x0  }
0x9c: {  	[sflag:s6] =	ssyncadd.s32 @!p1 $0xFFFFFF00  }
0x9d: {  	s8 =	simm.s32 @!p1 $0x280;
	_ =	swait.ge @!p1 [sflag:s6], $0x4000  }
0x9e: {  	s9 =	simm.s32 @!p1 $0x8300;
	p0 =	sge.u32 s25, s5;
	[sflag:s6] =	ssyncset.done @!p1 $0x0  }
0x9f: {  	s10 =	simm.s32 @!p0 $0x4;
	[sflag:s6] =	ssyncadd.s32 @!p1 $0xFFFFC000;
	s6 =	simm.s32 @!p1 $0x80  }
0xa0: {  	[spmem:s3] =	stream.indirect.scatter.add.f32 @!p1 [tilespmem:s9], [sflag:$0x6], $0x80, s8, s6, $0xb8;
	[tilespmem:$0x1FB80] =	vst v63  }
0xa1: {  	_ =	swait.ge @!p0 [sflag:s10], $0x4000  }
0xa2: {  	s6 =	sshrl.u32 @!p0 s24, $0x2;
	s8 =	simm.s32 @!p0 $0x0;
	[sflag:s10] =	ssyncset.done @!p0 $0x0  }
0xa3: {  	s24 =	sadd.s32 $0x4, s23;
	s6 =	sadd.s32 @!p0 s1, s6;
	[sflag:s10] =	ssyncadd.s32 @!p0 $0xFFFFC000  }
0xa4: {  	[tilespmem:s8], [sflag:$0x1] =	stream.linear.gather @!p0 [hbm4b:s6+s8], $0x100, $0x38;
	[tilespmem:$0x1FB80] =	vst v63  }
0xa5: {  	p1 =	sge.u32 s24, s5;
	s10 =	simm.s32 @!p0 $0x300;
	s6 =	sadd.s32 @!p0 $0xFFFE0000, s21  }
0xa6: {  	[tilespmem:s10], [sflag:$0x1] =	stream.linear.gather @!p0 [hbm4b:s6+s8], $0x4000, $0x38;
	[tilespmem:$0x1FB80] =	vst v63  }
0xa7: {  	s6 =	simm.s32 @!p1 $0x5  }
0xa8: {  	_ =	swait.ge @!p1 [sflag:s6], $0x4000  }
0xa9: {  	s25 =	sadd.s32 $0x5, s23;
	s8 =	simm.s32 @!p1 $0x100;
	[sflag:s6] =	ssyncset.done @!p1 $0x0  }
0xaa: {  	s10 =	simm.s32 @!p1 $0x0;
	p0 =	sge.u32 s25, s5;
	[sflag:s6] =	ssyncadd.s32 @!p1 $0xFFFFC000  }
0xab: {  	[tilespmem:s8], [sflag:$0x2] =	stream.linear.gather @!p1 [hbm4b:s22+s10], $0x100, $0x38;
	[tilespmem:$0x1FB80] =	vst v63  }
0xac: {  	s9 =	simm.s32 @!p0 $0x6;
	s6 =	sadd.s32 @!p1 $0xFFFF0000, s21;
	s8 =	simm.s32 @!p1 $0x4300  }
0xad: {  	[tilespmem:s8], [sflag:$0x2] =	stream.linear.gather @!p1 [hbm4b:s6+s10], $0x4000, $0x38;
	[tilespmem:$0x1FB80] =	vst v63  }
0xae: {  	_ =	swait.ge @!p0 [sflag:s9], $0x4000  }
0xaf: {  	[sflag:s9] =	ssyncset.done @!p0 $0x0  }
0xb0: {  	s6 =	simm.s32 @!p0 $0x0;
	s8 =	simm.s32 @!p0 $0x200;
	[sflag:s9] =	ssyncadd.s32 @!p0 $0xFFFFC000  }
0xb1: {  	[tilespmem:s8], [sflag:$0x3] =	stream.linear.gather @!p0 [hbm4b:s0+s6], $0x100, $0x38;
	[tilespmem:$0x1FB80] =	vst v63  }
0xb2: {  	s0 =	simm.s32 @!p0 $0x8300  }
0xb3: {  	[tilespmem:s0], [sflag:$0x3] =	stream.linear.gather @!p0 [hbm4b:s21+s6], $0x4000, $0x38;
	[tilespmem:$0x1FB80] =	vst v63  }
0xb4: {  	_ =	swait.ge [sflag:s28], $0x4000  }
0xb5: {  	[sflag:s28] =	ssyncset.done $0x0  }
0xb6: {  	[sflag:s28] =	ssyncadd.s32 $0xFFFFC000  }
0xb7: {  	_ =	swait.ge [sflag:s29], $0x4000  }
0xb8: {  	[sflag:s29] =	ssyncset.done $0x0  }
0xb9: {  	[sflag:s29] =	ssyncadd.s32 $0xFFFFC000  }
0xba: {  	_ =	swait.ge [sflag:s30], $0x4000  }
0xbb: {  	s31 =	sadd.s32 $0x1, s31;
	[sflag:s30] =	ssyncset.done $0x0  }
0xbc: {  	p0 =	sne.s32 s31, s16;
	[sflag:s30] =	ssyncadd.s32 $0xFFFFC000  }
.Ltmp1:
0xbd: {  	[bflag:$0x0] =	sbarrier.arrive $0xFFFF;
	(pc) =	sbr.rel @p0 .LBB2_1-.Ltmp1, $4  }
0xbe: {  	[hbm:s15], [sflag:s14] =	dma.local [spmem:s2], $0x2780  }
0xbf: {  	_ =	swait.ge [sflag:s26], $0x2780  }
0xc0: {  	[sflag:s26] =	ssyncset.done $0x0  }
0xc1: {  	[sflag:s26] =	ssyncadd.s32 $0xFFFFD880  }
0xc2: {  	_ =	sfence.sel $0x180000  }
0xc3: {  	[bflag:$0x0] =	sbarrier.arrive $0xFFFF  }
0xc4: {  	_ =	strace $0x90000047  }
0xc5: {  	s0 =	stileid.u32;
	[bflag:$0x2] =	sbarrier.arrive $0xFFFF  }
0xc6: {  	p0 =	sne.s32 s0, $0x0;
	s0 =	rddreg [dreg:$0x5]  }
0xc7: {  	s0 =	sadd.s32 @!p0 $0x100000, s0  }
0xc8: {  	[sflag:s0] =	ssyncadd.tile.s32 @!p0 $0x1;
	_ =	shalt  }
.Lfunc_end2:
_tile_overlayer_lowered:
.L_overlay_start_2:
0xc9: {  	(tag) =	ssettag $0x2  }
0xca: {  	s0 =	rddreg [dreg:$0x0];
	s2 =	stileid.u32  }
0xcb: {  	s1 =	rddreg [dreg:$0x1];
	p0 =	sne.s32 s2, $0x0  }
0xcc: {  	s3 =	rddreg [dreg:$0x2];
	[bflag:$0x3] =	sbarrier.arrive $0xFFFF;
	s2 =	simm.s32 @!p0 $0x1C07  }
0xcd: {  	[timem:s3], [sflag:s2] =	dma.local @!p0 [hbm:s0], s1  }
0xce: {  	s0 =	simm.s32 @!p0 $0x7  }
0xcf: {  	_ =	swait.ge @!p0 [sflag:s0], s1  }
0xd0: {  	s1 =	ssub.s32 @!p0 $0x0, s1;
	[sflag:s0] =	ssyncset.done @!p0 $0x0  }
0xd1: {  	[sflag:s0] =	ssyncadd.s32 @!p0 s1  }
0xd2: {  	[bflag:$0x3] =	sbarrier.arrive $0xFFFF  }
0xd3: {  	_ =	shalt  }

</sc_bundles>
